<compile_context>
chip_gen: v7x
topology: tpu7x:2x2x1
jax: 0.10.2.dev20260603
libtpu: 0.0.44.dev20260713+nightly
codegen_flags: <defaults>
</compile_context>

<pallas_src>
import functools

import jax
import jax.numpy as jnp
from jax import lax
from jax.experimental import pallas as pl
from jax.experimental.pallas import tpu as pltpu
from jax.experimental.pallas import tpu_sc as plsc

NC = 2
NS = 16
LANES = 16

CH = 128
ZROWS = 16


STAGE = 40
ST0 = 2
ST1 = 2


def _make_spmm(n, epad, h):
    nz = n // ZROWS
    napad = n + 8
    assert NS * STAGE * (ST0 + ST1) * CH == epad

    mesh = plsc.VectorSubcoreMesh(core_axis_name="c", subcore_axis_name="s")

    @functools.partial(
        pl.kernel,
        mesh=mesh,
        out_type=jax.ShapeDtypeStruct((NC * n, h), jnp.float32),
        scratch_types=[
            pltpu.VMEM_SHARED((napad, h), jnp.float32),
            pltpu.VMEM((STAGE, CH), jnp.int32),
            pltpu.VMEM((STAGE, CH), jnp.int32),
            pltpu.VMEM((CH, h), jnp.float32),
            pltpu.VMEM((CH, h), jnp.float32),
            pltpu.VMEM((ZROWS, h), jnp.float32),
            pltpu.SemaphoreType.DMA,
            pltpu.SemaphoreType.DMA,
            pltpu.SemaphoreType.DMA,
        ],
    )
    def spmm(support_hbm, src_hbm, dst_hbm, out_hbm, acc_sh, src_v, dst_v,
             rows_a, rows_b, zero_v, gsem, ssem_a, ssem_b):
        c = lax.axis_index("c")
        s = lax.axis_index("s")

        zvec = jnp.zeros((LANES,), jnp.float32)

        @pl.loop(0, ZROWS)
        def _(r):
            @pl.loop(0, h, step=LANES)
            def _(c0):
                zero_v[r, pl.ds(c0, LANES)] = zvec

        @pl.loop(s, nz, step=NS)
        def _(kk):
            off = pl.multiple_of(kk * ZROWS, 8)
            pltpu.sync_copy(zero_v, acc_sh.at[pl.ds(off, ZROWS)])

        plsc.subcore_barrier()

        bufs = ((rows_a, ssem_a), (rows_b, ssem_b))

        nst = jnp.where(c == 0, ST0, ST1)
        base = jnp.where(c == 0, s * ST0 * STAGE,
                         (NS * ST0 + s * ST1) * STAGE)

        @pl.loop(0, nst)
        def _(st):
            ibase = pl.multiple_of(base + st * STAGE, 8)
            pltpu.sync_copy(src_hbm.at[pl.ds(ibase, STAGE)], src_v)
            pltpu.sync_copy(dst_hbm.at[pl.ds(ibase, STAGE)], dst_v)

            @pl.loop(0, STAGE, step=2)
            def _(jj):
                for b, (rbuf, ssem) in enumerate(bufs):
                    j = jj + b

                    @pl.when(jj > 0)
                    def _():
                        pltpu.make_async_copy(
                            rbuf, acc_sh.at[dst_v.at[j]], ssem).wait()

                    pltpu.async_copy(support_hbm.at[src_v.at[j]], rbuf,
                                     gsem).wait()
                    pltpu.async_copy(rbuf, acc_sh.at[dst_v.at[j]], ssem,
                                     add=True)

            for b, (rbuf, ssem) in enumerate(bufs):
                pltpu.make_async_copy(
                    rbuf, acc_sh.at[dst_v.at[STAGE - 2 + b]], ssem).wait()

        plsc.subcore_barrier()

        @pl.loop(s, nz, step=NS)
        def _(kk):
            off = pl.multiple_of(kk * ZROWS, 8)
            off2 = pl.multiple_of(c * n + kk * ZROWS, 8)
            pltpu.sync_copy(acc_sh.at[pl.ds(off, ZROWS)],
                            out_hbm.at[pl.ds(off2, ZROWS)])

    return spmm


def _matmul_body(x_ref, w_ref, o_ref):
    o_ref[...] = lax.dot_general(
        x_ref[...], w_ref[...], (((1,), (0,)), ((), ())),
        preferred_element_type=jnp.float32, precision=lax.Precision.HIGHEST)


def _mid_body(p_ref, b_ref, w_ref, o_ref):
    hval = jnp.maximum(p_ref[0] + p_ref[1] + b_ref[...], 0.0)
    o_ref[...] = lax.dot_general(
        hval, w_ref[...], (((1,), (0,)), ((), ())),
        preferred_element_type=jnp.float32, precision=lax.Precision.HIGHEST)


def _final_body(p_ref, b_ref, o_ref):
    o_ref[...] = jnp.maximum(p_ref[0] + p_ref[1] + b_ref[...], 0.0)


def kernel(x, adj, W1, b1, W2, b2):
    n, h = x.shape
    e = adj.shape[1]
    f = W2.shape[1]

    quantum = NC * NS * CH * 8
    epad = ((e + quantum - 1) // quantum) * quantum
    src = jnp.concatenate(
        [adj[0], jnp.zeros((epad - e,), jnp.int32)]).reshape(epad // CH, CH)
    dst = jnp.concatenate(
        [adj[1], jnp.full((epad - e,), n, jnp.int32)]).reshape(epad // CH, CH)

    rb = 2000
    grid = (n // rb,)

    support1 = pl.pallas_call(
        _matmul_body,
        grid=grid,
        in_specs=[
            pl.BlockSpec((rb, h), lambda i: (i, 0)),
            pl.BlockSpec((h, h), lambda i: (0, 0)),
        ],
        out_specs=pl.BlockSpec((rb, h), lambda i: (i, 0)),
        out_shape=jax.ShapeDtypeStruct((n, h), jnp.float32),
    )(x, W1)

    spmm = _make_spmm(n, epad, h)
    p1 = spmm(support1, src, dst).reshape(NC, n, h)

    support2 = pl.pallas_call(
        _mid_body,
        grid=grid,
        in_specs=[
            pl.BlockSpec((NC, rb, h), lambda i: (0, i, 0)),
            pl.BlockSpec((1, h), lambda i: (0, 0)),
            pl.BlockSpec((h, f), lambda i: (0, 0)),
        ],
        out_specs=pl.BlockSpec((rb, f), lambda i: (i, 0)),
        out_shape=jax.ShapeDtypeStruct((n, f), jnp.float32),
    )(p1, b1.reshape(1, h), W2)

    p2 = spmm(support2, src, dst).reshape(NC, n, f)

    out = pl.pallas_call(
        _final_body,
        grid=grid,
        in_specs=[
            pl.BlockSpec((NC, rb, f), lambda i: (0, i, 0)),
            pl.BlockSpec((1, f), lambda i: (0, 0)),
        ],
        out_specs=pl.BlockSpec((rb, f), lambda i: (i, 0)),
        out_shape=jax.ShapeDtypeStruct((n, f), jnp.float32),
    )(p2, b2.reshape(1, f))

    return out

# --- scband reference (transcript-rebuilt; emitter-appended) ---
"""Pipeline reference for scband-attribute-decoder-4544075399679 (READ-ONLY COPY).

The authoritative reference and input builder live on the scoring server;
editing this copy changes nothing except your own understanding.
"""

import jax, jax.numpy as jnp
import numpy as np

N = 10000
E = 320000
NHID = 128
NFEAT = 128


def setup_inputs(seed: int = 0) -> dict:
    key = jax.random.key(seed)
    k1, k2, k3, k4 = jax.random.split(key, 4)
    x = jax.random.normal(k1, (N, NHID), dtype=jnp.float32)
    # adjacency as an edge list (sparse binary adj); spmm(adj, support) == scatter-add of support[src] into dst
    adj = jax.random.randint(k2, (2, E), 0, N, dtype=jnp.int32)
    # GraphConvolution parameters (Kipf-style): support = x @ W; out = spmm(adj, support) + b
    W1 = jax.random.normal(k3, (NHID, NHID), dtype=jnp.float32) * 0.05
    b1 = jnp.zeros((NHID,), dtype=jnp.float32)
    W2 = jax.random.normal(k4, (NHID, NFEAT), dtype=jnp.float32) * 0.05
    b2 = jnp.zeros((NFEAT,), dtype=jnp.float32)
    return {"x": x, "adj": adj, "W1": W1, "b1": b1, "W2": W2, "b2": b2}


def reference(x, adj, W1, b1, W2, b2):
    src = adj[0]
    dst = adj[1]
    n = x.shape[0]
    # gc1: support = x @ W1; out = spmm(adj, support) + b1
    support1 = x @ W1
    agg1 = jax.ops.segment_sum(support1[src], dst, num_segments=n)
    h = jax.nn.relu(agg1 + b1)
    # dropout skipped (eval / training=False -> identity)
    # gc2: support = h @ W2; out = spmm(adj, support) + b2
    support2 = h @ W2
    agg2 = jax.ops.segment_sum(support2[src], dst, num_segments=n)
    out = jax.nn.relu(agg2 + b2)
    return out

if __name__ == "__main__":
    import jax
    _d = setup_inputs()
    print(jax.jit(kernel)(*tuple(_d.values())))

</pallas_src>

<mosaic_0001>
#map = affine_map<(d0, d1) -> (0, 0)>
module attributes {stable_mosaic.version = 14 : i64} {
  func.func @spmm(%arg0: i32, %arg1: i32, %arg2: memref<10000x128xf32, #tpu.memory_space<hbm>>, %arg3: memref<2560x128xi32, #tpu.memory_space<hbm>>, %arg4: memref<2560x128xi32, #tpu.memory_space<hbm>>, %arg5: memref<20000x128xf32, #tpu.memory_space<hbm>>, %arg6: memref<10008x128xf32, #tpu.memory_space<vmem_shared>>, %arg7: memref<40x128xi32, #tpu.memory_space<vmem>>, %arg8: memref<40x128xi32, #tpu.memory_space<vmem>>, %arg9: memref<128x128xf32, #tpu.memory_space<vmem>>, %arg10: memref<128x128xf32, #tpu.memory_space<vmem>>, %arg11: memref<16x128xf32, #tpu.memory_space<vmem>>, %arg12: memref<!tpu.dma_semaphore, #tpu.memory_space<semaphore_mem>>, %arg13: memref<!tpu.dma_semaphore, #tpu.memory_space<semaphore_mem>>, %arg14: memref<!tpu.dma_semaphore, #tpu.memory_space<semaphore_mem>>) attributes {dimension_semantics = [#tpu.dimension_semantics<core_parallel>, #tpu.dimension_semantics<subcore_parallel>], iteration_bounds = array<i64: 2, 16>, scalar_prefetch = 0 : i64, scratch_operands = 9 : i64, tpu.core_type = #tpu.core_type<sc_vector_subcore>, window_params = [{transform_indices = #map}, {transform_indices = #map}, {transform_indices = #map}, {transform_indices = #map}]} {
    %broadcast_in_dim3A = arith.constant 0.000000e+00 : f32
    %broadcast_in_dim3A_0 = vector.broadcast %broadcast_in_dim3A : f32 to vector<16xf32>
    %scan3A = arith.constant 0 : i32
    %scan3A_1 = arith.constant 16 : i32
    %scan3A_2 = arith.addi %scan3A, %scan3A_1 : i32
    %scan3A_3 = arith.constant 1 : i32
    scf.for %scan3A_71 = %scan3A to %scan3A_2 step %scan3A_3  : i32 {
      %mul3A_72 = arith.constant 1 : i32
      %mul3A_73 = arith.muli %scan3A_71, %mul3A_72 : i32
      %add3A_74 = arith.constant 0 : i32
      %add3A_75 = arith.addi %add3A_74, %mul3A_73 : i32
      %scan3A_76 = arith.constant 0 : i32
      %scan3A_77 = arith.constant 8 : i32
      %scan3A_78 = arith.addi %scan3A_76, %scan3A_77 : i32
      %scan3A_79 = arith.constant 1 : i32
      scf.for %scan3A_81 = %scan3A_76 to %scan3A_78 step %scan3A_79  : i32 {
        %mul3A_82 = arith.constant 16 : i32
        %mul3A_83 = arith.muli %scan3A_81, %mul3A_82 : i32
        %add3A_84 = arith.constant 0 : i32
        %add3A_85 = arith.addi %add3A_84, %mul3A_83 : i32
        %swap3A = arith.index_cast %add3A_75 : i32 to index
        %swap3A_86 = arith.index_cast %add3A_85 : i32 to index
        %swap3A_87 = tpu.vector_load %arg11[%swap3A, %swap3A_86] {strides = array<i32>} : memref<16x128xf32, #tpu.memory_space<vmem>>, vector<1x16xf32>,
        %swap3A_88 = vector.shape_cast %swap3A_87 : vector<1x16xf32> to vector<16xf32>
        %swap3A_89 = vector.shape_cast %broadcast_in_dim3A_0 : vector<16xf32> to vector<1x16xf32>
        tpu.vector_store %arg11[%swap3A, %swap3A_86], %swap3A_89 {strides = array<i32>} : memref<16x128xf32, #tpu.memory_space<vmem>>, vector<1x16xf32>,
      }
      %scan3A_80 = arith.constant 8 : i32
    }
    %scan3A_4 = arith.constant 16 : i32
    %sub3A = arith.constant 625 : i32
    %sub3A_5 = arith.subi %sub3A, %arg1 : i32
    %sub3A_6 = arith.constant 16 : i32
    %sub3A_7 = arith.constant 1 : i32
    %sub3A_8 = arith.subi %sub3A_6, %sub3A_7 : i32
    %add3A = arith.addi %sub3A_5, %sub3A_8 : i32
    %div3A = arith.constant 16 : i32
    %div3A_9 = arith.divsi %add3A, %div3A : i32
    %while3A = arith.constant 16 : i32
    %while3A_10 = arith.constant 0 : i32
    %while3A_11 = arith.subi %div3A_9, %while3A_10 : i32
    %while3A_12 = arith.addi %while3A_10, %while3A_11 : i32
    %while3A_13 = arith.constant 1 : i32
    %while3A_14 = arith.divsi %while3A_11, %while3A_13 : i32
    %while3A_15 = arith.muli %while3A_14, %while3A_13 : i32
    %while3A_16 = arith.addi %while3A_10, %while3A_15 : i32
    %while3A_17 = arith.constant 1 : i32
    scf.for %while3A_71 = %while3A_10 to %while3A_16 step %while3A_17  : i32 {
      %mul3A_72 = arith.muli %while3A_71, %while3A : i32
      %add3A_73 = arith.addi %arg1, %mul3A_72 : i32
      %mul3A_74 = arith.constant 16 : i32
      %mul3A_75 = arith.muli %add3A_73, %mul3A_74 : i32
      %multiple_of3A = tpu.assume_multiple %mul3A_75, 8 : i32
      "tpu.region"() ({
        %run_scoped3A = tpu.sem_alloc : memref<!tpu.dma_semaphore, #tpu.memory_space<semaphore_mem>>
        %dma_start3A = arith.constant 0 : i32
        %dma_start3A_76 = tpu.memref_slice %arg6[%multiple_of3A, %dma_start3A] : memref<10008x128xf32, #tpu.memory_space<vmem_shared>> -> memref<16x128xf32, #tpu.memory_space<vmem_shared>>
        %dma_start3A_77 = arith.constant 0 : i32
        %dma_start3A_78 = tpu.memref_slice %arg6[%multiple_of3A, %dma_start3A_77] : memref<10008x128xf32, #tpu.memory_space<vmem_shared>> -> memref<16x128xf32, #tpu.memory_space<vmem_shared>>
        tpu.enqueue_dma source(%arg11 : memref<16x128xf32, #tpu.memory_space<vmem>>) target(%dma_start3A_78 : memref<16x128xf32, #tpu.memory_space<vmem_shared>>) target_semaphore(%run_scoped3A : memref<!tpu.dma_semaphore, #tpu.memory_space<semaphore_mem>>)
        %dma_wait3A = arith.constant 0 : i32
        %dma_wait3A_79 = tpu.memref_slice %arg6[%multiple_of3A, %dma_wait3A] : memref<10008x128xf32, #tpu.memory_space<vmem_shared>> -> memref<16x128xf32, #tpu.memory_space<vmem_shared>>
        %dma_wait3A_80 = arith.constant 0 : i32
        %dma_wait3A_81 = tpu.memref_slice %arg6[%multiple_of3A, %dma_wait3A_80] : memref<10008x128xf32, #tpu.memory_space<vmem_shared>> -> memref<16x128xf32, #tpu.memory_space<vmem_shared>>
        tpu.wait_dma2 semaphore(%run_scoped3A : memref<!tpu.dma_semaphore, #tpu.memory_space<semaphore_mem>>) src(%arg11 : memref<16x128xf32, #tpu.memory_space<vmem>>) dst(%dma_wait3A_81 : memref<16x128xf32, #tpu.memory_space<vmem_shared>>)
        tpu.yield
      }) : () -> ()
    }
    %while3A_18 = arith.constant 1 : i32
    scf.for %while3A_71 = %while3A_16 to %while3A_12 step %while3A_18  : i32 {
      %mul3A_72 = arith.muli %while3A_71, %while3A : i32
      %add3A_73 = arith.addi %arg1, %mul3A_72 : i32
      %mul3A_74 = arith.constant 16 : i32
      %mul3A_75 = arith.muli %add3A_73, %mul3A_74 : i32
      %multiple_of3A = tpu.assume_multiple %mul3A_75, 8 : i32
      "tpu.region"() ({
        %run_scoped3A = tpu.sem_alloc : memref<!tpu.dma_semaphore, #tpu.memory_space<semaphore_mem>>
        %dma_start3A = arith.constant 0 : i32
        %dma_start3A_76 = tpu.memref_slice %arg6[%multiple_of3A, %dma_start3A] : memref<10008x128xf32, #tpu.memory_space<vmem_shared>> -> memref<16x128xf32, #tpu.memory_space<vmem_shared>>
        %dma_start3A_77 = arith.constant 0 : i32
        %dma_start3A_78 = tpu.memref_slice %arg6[%multiple_of3A, %dma_start3A_77] : memref<10008x128xf32, #tpu.memory_space<vmem_shared>> -> memref<16x128xf32, #tpu.memory_space<vmem_shared>>
        tpu.enqueue_dma source(%arg11 : memref<16x128xf32, #tpu.memory_space<vmem>>) target(%dma_start3A_78 : memref<16x128xf32, #tpu.memory_space<vmem_shared>>) target_semaphore(%run_scoped3A : memref<!tpu.dma_semaphore, #tpu.memory_space<semaphore_mem>>)
        %dma_wait3A = arith.constant 0 : i32
        %dma_wait3A_79 = tpu.memref_slice %arg6[%multiple_of3A, %dma_wait3A] : memref<10008x128xf32, #tpu.memory_space<vmem_shared>> -> memref<16x128xf32, #tpu.memory_space<vmem_shared>>
        %dma_wait3A_80 = arith.constant 0 : i32
        %dma_wait3A_81 = tpu.memref_slice %arg6[%multiple_of3A, %dma_wait3A_80] : memref<10008x128xf32, #tpu.memory_space<vmem_shared>> -> memref<16x128xf32, #tpu.memory_space<vmem_shared>>
        tpu.wait_dma2 semaphore(%run_scoped3A : memref<!tpu.dma_semaphore, #tpu.memory_space<semaphore_mem>>) src(%arg11 : memref<16x128xf32, #tpu.memory_space<vmem>>) dst(%dma_wait3A_81 : memref<16x128xf32, #tpu.memory_space<vmem_shared>>)
        tpu.yield
      }) : () -> ()
    }
    %barrier3A = arith.constant 0 : index
    tpu.barrier barrier_id(%barrier3A)
    %eq3A = arith.constant 0 : i32
    %eq3A_19 = arith.cmpi eq, %arg0, %eq3A : i32
    %jit3A = arith.constant 2 : i32
    %jit3A_20 = arith.constant 2 : i32
    %select_n3A = arith.select %eq3A_19, %jit3A, %jit3A_20 : i32
    %eq3A_21 = arith.constant 0 : i32
    %eq3A_22 = arith.cmpi eq, %arg0, %eq3A_21 : i32
    %mul3A = arith.constant 2 : i32
    %mul3A_23 = arith.muli %arg1, %mul3A : i32
    %mul3A_24 = arith.constant 40 : i32
    %mul3A_25 = arith.muli %mul3A_23, %mul3A_24 : i32
    %mul3A_26 = arith.constant 2 : i32
    %mul3A_27 = arith.muli %arg1, %mul3A_26 : i32
    %add3A_28 = arith.constant 32 : i32
    %add3A_29 = arith.addi %add3A_28, %mul3A_27 : i32
    %mul3A_30 = arith.constant 40 : i32
    %mul3A_31 = arith.muli %add3A_29, %mul3A_30 : i32
    %select_n3A_32 = arith.select %eq3A_22, %mul3A_25, %mul3A_31 : i32
    %sub3A_33 = arith.constant 0 : i32
    %sub3A_34 = arith.subi %select_n3A, %sub3A_33 : i32
    %sub3A_35 = arith.constant 1 : i32
    %sub3A_36 = arith.constant 1 : i32
    %sub3A_37 = arith.subi %sub3A_35, %sub3A_36 : i32
    %add3A_38 = arith.addi %sub3A_34, %sub3A_37 : i32
    %div3A_39 = arith.constant 1 : i32
    %div3A_40 = arith.divsi %add3A_38, %div3A_39 : i32
    %while3A_41 = arith.constant 1 : i32
    %while3A_42 = arith.constant 0 : i32
    %while3A_43 = arith.constant 0 : i32
    %while3A_44 = arith.subi %div3A_40, %while3A_43 : i32
    %while3A_45 = arith.addi %while3A_43, %while3A_44 : i32
    %while3A_46 = arith.constant 1 : i32
    %while3A_47 = arith.divsi %while3A_44, %while3A_46 : i32
    %while3A_48 = arith.muli %while3A_47, %while3A_46 : i32
    %while3A_49 = arith.addi %while3A_43, %while3A_48 : i32
    %while3A_50 = arith.constant 1 : i32
    scf.for %while3A_71 = %while3A_43 to %while3A_49 step %while3A_50  : i32 {
      %mul3A_72 = arith.muli %while3A_71, %while3A_41 : i32
      %add3A_73 = arith.addi %while3A_42, %mul3A_72 : i32
      %mul3A_74 = arith.constant 40 : i32
      %mul3A_75 = arith.muli %add3A_73, %mul3A_74 : i32
      %add3A_76 = arith.addi %select_n3A_32, %mul3A_75 : i32
      %multiple_of3A = tpu.assume_multiple %add3A_76, 8 : i32
      "tpu.region"() ({
        %run_scoped3A = tpu.sem_alloc : memref<!tpu.dma_semaphore, #tpu.memory_space<semaphore_mem>>
        %dma_start3A = arith.constant 0 : i32
        %dma_start3A_95 = tpu.memref_slice %arg3[%multiple_of3A, %dma_start3A] : memref<2560x128xi32, #tpu.memory_space<hbm>> -> memref<40x128xi32, #tpu.memory_space<hbm>>
        %dma_start3A_96 = arith.constant 0 : i32
        %dma_start3A_97 = tpu.memref_slice %arg3[%multiple_of3A, %dma_start3A_96] : memref<2560x128xi32, #tpu.memory_space<hbm>> -> memref<40x128xi32, #tpu.memory_space<hbm>>
        tpu.enqueue_dma source(%dma_start3A_97 : memref<40x128xi32, #tpu.memory_space<hbm>>) target(%arg7 : memref<40x128xi32, #tpu.memory_space<vmem>>) target_semaphore(%run_scoped3A : memref<!tpu.dma_semaphore, #tpu.memory_space<semaphore_mem>>)
        %dma_wait3A_98 = arith.constant 0 : i32
        %dma_wait3A_99 = tpu.memref_slice %arg3[%multiple_of3A, %dma_wait3A_98] : memref<2560x128xi32, #tpu.memory_space<hbm>> -> memref<40x128xi32, #tpu.memory_space<hbm>>
        %dma_wait3A_100 = arith.constant 0 : i32
        %dma_wait3A_101 = tpu.memref_slice %arg3[%multiple_of3A, %dma_wait3A_100] : memref<2560x128xi32, #tpu.memory_space<hbm>> -> memref<40x128xi32, #tpu.memory_space<hbm>>
        tpu.wait_dma2 semaphore(%run_scoped3A : memref<!tpu.dma_semaphore, #tpu.memory_space<semaphore_mem>>) src(%dma_wait3A_101 : memref<40x128xi32, #tpu.memory_space<hbm>>) dst(%arg7 : memref<40x128xi32, #tpu.memory_space<vmem>>)
        tpu.yield
      }) : () -> ()
      "tpu.region"() ({
        %run_scoped3A = tpu.sem_alloc : memref<!tpu.dma_semaphore, #tpu.memory_space<semaphore_mem>>
        %dma_start3A = arith.constant 0 : i32
        %dma_start3A_95 = tpu.memref_slice %arg4[%multiple_of3A, %dma_start3A] : memref<2560x128xi32, #tpu.memory_space<hbm>> -> memref<40x128xi32, #tpu.memory_space<hbm>>
        %dma_start3A_96 = arith.constant 0 : i32
        %dma_start3A_97 = tpu.memref_slice %arg4[%multiple_of3A, %dma_start3A_96] : memref<2560x128xi32, #tpu.memory_space<hbm>> -> memref<40x128xi32, #tpu.memory_space<hbm>>
        tpu.enqueue_dma source(%dma_start3A_97 : memref<40x128xi32, #tpu.memory_space<hbm>>) target(%arg8 : memref<40x128xi32, #tpu.memory_space<vmem>>) target_semaphore(%run_scoped3A : memref<!tpu.dma_semaphore, #tpu.memory_space<semaphore_mem>>)
        %dma_wait3A_98 = arith.constant 0 : i32
        %dma_wait3A_99 = tpu.memref_slice %arg4[%multiple_of3A, %dma_wait3A_98] : memref<2560x128xi32, #tpu.memory_space<hbm>> -> memref<40x128xi32, #tpu.memory_space<hbm>>
        %dma_wait3A_100 = arith.constant 0 : i32
        %dma_wait3A_101 = tpu.memref_slice %arg4[%multiple_of3A, %dma_wait3A_100] : memref<2560x128xi32, #tpu.memory_space<hbm>> -> memref<40x128xi32, #tpu.memory_space<hbm>>
        tpu.wait_dma2 semaphore(%run_scoped3A : memref<!tpu.dma_semaphore, #tpu.memory_space<semaphore_mem>>) src(%dma_wait3A_101 : memref<40x128xi32, #tpu.memory_space<hbm>>) dst(%arg8 : memref<40x128xi32, #tpu.memory_space<vmem>>)
        tpu.yield
      }) : () -> ()
      %scan3A_77 = arith.constant 0 : i32
      %scan3A_78 = arith.constant 20 : i32
      %scan3A_79 = arith.addi %scan3A_77, %scan3A_78 : i32
      %scan3A_80 = arith.constant 1 : i32
      scf.for %scan3A_95 = %scan3A_77 to %scan3A_79 step %scan3A_80  : i32 {
        %mul3A_96 = arith.constant 2 : i32
        %mul3A_97 = arith.muli %scan3A_95, %mul3A_96 : i32
        %add3A_98 = arith.constant 0 : i32
        %add3A_99 = arith.addi %add3A_98, %mul3A_97 : i32
        %add3A_100 = arith.constant 0 : i32
        %add3A_101 = arith.addi %add3A_99, %add3A_100 : i32
        %gt3A = arith.constant 0 : i32
        %gt3A_102 = arith.cmpi sgt, %add3A_99, %gt3A : i32
        %convert_element_type3A = arith.extui %gt3A_102 : i1 to i32
        %cond3A = arith.constant 0 : i32
        %cond3A_103 = arith.cmpi ne, %convert_element_type3A, %cond3A : i32
        scf.if %cond3A_103 {
          %dma_wait3A_146 = arith.constant 0 : i32
          %dma_wait3A_147 = tpu.memref_slice %arg8[%add3A_101, %dma_wait3A_146] : memref<40x128xi32, #tpu.memory_space<vmem>> -> memref<1x128xi32, #tpu.memory_space<vmem>>
          %dma_wait3A_148 = tpu.memref_squeeze %dma_wait3A_147 : memref<1x128xi32, #tpu.memory_space<vmem>> -> memref<128xi32, #tpu.memory_space<vmem>>
          %dma_wait3A_149 = arith.constant 0 : i32
          %dma_wait3A_150 = arith.constant 0 : i32
          %dma_wait3A_151 = tpu.memref_slice %arg6[%dma_wait3A_149, %dma_wait3A_150] : memref<10008x128xf32, #tpu.memory_space<vmem_shared>> -> memref<10008x128xf32, #tpu.memory_space<vmem_shared>>
          tpu.wait_indirect_dma semaphore(%arg13 : memref<!tpu.dma_semaphore, #tpu.memory_space<semaphore_mem>>) src(%arg9 : memref<128x128xf32, #tpu.memory_space<vmem>>) dst(%dma_wait3A_151 : memref<10008x128xf32, #tpu.memory_space<vmem_shared>>)
        } else {
        }
        %dma_start3A = arith.constant 0 : i32
        %dma_start3A_104 = tpu.memref_slice %arg7[%add3A_101, %dma_start3A] : memref<40x128xi32, #tpu.memory_space<vmem>> -> memref<1x128xi32, #tpu.memory_space<vmem>>
        %dma_start3A_105 = tpu.memref_squeeze %dma_start3A_104 : memref<1x128xi32, #tpu.memory_space<vmem>> -> memref<128xi32, #tpu.memory_space<vmem>>
        %dma_start3A_106 = arith.constant 0 : i32
        %dma_start3A_107 = arith.constant 0 : i32
        %dma_start3A_108 = tpu.memref_slice %arg2[%dma_start3A_106, %dma_start3A_107] : memref<10000x128xf32, #tpu.memory_space<hbm>> -> memref<10000x128xf32, #tpu.memory_space<hbm>>
        tpu.enqueue_indirect_dma source(%dma_start3A_108 : memref<10000x128xf32, #tpu.memory_space<hbm>>) target(%arg9 : memref<128x128xf32, #tpu.memory_space<vmem>>) offsets(%dma_start3A_105 : memref<128xi32, #tpu.memory_space<vmem>>) semaphore(%arg12 : memref<!tpu.dma_semaphore, #tpu.memory_space<semaphore_mem>>)
        %dma_wait3A_109 = arith.constant 0 : i32
        %dma_wait3A_110 = tpu.memref_slice %arg7[%add3A_101, %dma_wait3A_109] : memref<40x128xi32, #tpu.memory_space<vmem>> -> memref<1x128xi32, #tpu.memory_space<vmem>>
        %dma_wait3A_111 = tpu.memref_squeeze %dma_wait3A_110 : memref<1x128xi32, #tpu.memory_space<vmem>> -> memref<128xi32, #tpu.memory_space<vmem>>
        %dma_wait3A_112 = arith.constant 0 : i32
        %dma_wait3A_113 = arith.constant 0 : i32
        %dma_wait3A_114 = tpu.memref_slice %arg2[%dma_wait3A_112, %dma_wait3A_113] : memref<10000x128xf32, #tpu.memory_space<hbm>> -> memref<10000x128xf32, #tpu.memory_space<hbm>>
        tpu.wait_indirect_dma semaphore(%arg12 : memref<!tpu.dma_semaphore, #tpu.memory_space<semaphore_mem>>) src(%dma_wait3A_114 : memref<10000x128xf32, #tpu.memory_space<hbm>>) dst(%arg9 : memref<128x128xf32, #tpu.memory_space<vmem>>)
        %dma_start3A_115 = arith.constant 0 : i32
        %dma_start3A_116 = tpu.memref_slice %arg8[%add3A_101, %dma_start3A_115] : memref<40x128xi32, #tpu.memory_space<vmem>> -> memref<1x128xi32, #tpu.memory_space<vmem>>
        %dma_start3A_117 = tpu.memref_squeeze %dma_start3A_116 : memref<1x128xi32, #tpu.memory_space<vmem>> -> memref<128xi32, #tpu.memory_space<vmem>>
        %dma_start3A_118 = arith.constant 0 : i32
        %dma_start3A_119 = arith.constant 0 : i32
        %dma_start3A_120 = tpu.memref_slice %arg6[%dma_start3A_118, %dma_start3A_119] : memref<10008x128xf32, #tpu.memory_space<vmem_shared>> -> memref<10008x128xf32, #tpu.memory_space<vmem_shared>>
        tpu.enqueue_indirect_dma source(%arg9 : memref<128x128xf32, #tpu.memory_space<vmem>>) target(%dma_start3A_120 : memref<10008x128xf32, #tpu.memory_space<vmem_shared>>) offsets(%dma_start3A_117 : memref<128xi32, #tpu.memory_space<vmem>>) semaphore(%arg13 : memref<!tpu.dma_semaphore, #tpu.memory_space<semaphore_mem>>) {add = true}
        %add3A_121 = arith.constant 1 : i32
        %add3A_122 = arith.addi %add3A_99, %add3A_121 : i32
        %gt3A_123 = arith.constant 0 : i32
        %gt3A_124 = arith.cmpi sgt, %add3A_99, %gt3A_123 : i32
        %convert_element_type3A_125 = arith.extui %gt3A_124 : i1 to i32
        %cond3A_126 = arith.constant 0 : i32
        %cond3A_127 = arith.cmpi ne, %convert_element_type3A_125, %cond3A_126 : i32
        scf.if %cond3A_127 {
          %dma_wait3A_146 = arith.constant 0 : i32
          %dma_wait3A_147 = tpu.memref_slice %arg8[%add3A_122, %dma_wait3A_146] : memref<40x128xi32, #tpu.memory_space<vmem>> -> memref<1x128xi32, #tpu.memory_space<vmem>>
          %dma_wait3A_148 = tpu.memref_squeeze %dma_wait3A_147 : memref<1x128xi32, #tpu.memory_space<vmem>> -> memref<128xi32, #tpu.memory_space<vmem>>
          %dma_wait3A_149 = arith.constant 0 : i32
          %dma_wait3A_150 = arith.constant 0 : i32
          %dma_wait3A_151 = tpu.memref_slice %arg6[%dma_wait3A_149, %dma_wait3A_150] : memref<10008x128xf32, #tpu.memory_space<vmem_shared>> -> memref<10008x128xf32, #tpu.memory_space<vmem_shared>>
          tpu.wait_indirect_dma semaphore(%arg14 : memref<!tpu.dma_semaphore, #tpu.memory_space<semaphore_mem>>) src(%arg10 : memref<128x128xf32, #tpu.memory_space<vmem>>) dst(%dma_wait3A_151 : memref<10008x128xf32, #tpu.memory_space<vmem_shared>>)
        } else {
        }
        %dma_start3A_128 = arith.constant 0 : i32
        %dma_start3A_129 = tpu.memref_slice %arg7[%add3A_122, %dma_start3A_128] : memref<40x128xi32, #tpu.memory_space<vmem>> -> memref<1x128xi32, #tpu.memory_space<vmem>>
        %dma_start3A_130 = tpu.memref_squeeze %dma_start3A_129 : memref<1x128xi32, #tpu.memory_space<vmem>> -> memref<128xi32, #tpu.memory_space<vmem>>
        %dma_start3A_131 = arith.constant 0 : i32
        %dma_start3A_132 = arith.constant 0 : i32
        %dma_start3A_133 = tpu.memref_slice %arg2[%dma_start3A_131, %dma_start3A_132] : memref<10000x128xf32, #tpu.memory_space<hbm>> -> memref<10000x128xf32, #tpu.memory_space<hbm>>
        tpu.enqueue_indirect_dma source(%dma_start3A_133 : memref<10000x128xf32, #tpu.memory_space<hbm>>) target(%arg10 : memref<128x128xf32, #tpu.memory_space<vmem>>) offsets(%dma_start3A_130 : memref<128xi32, #tpu.memory_space<vmem>>) semaphore(%arg12 : memref<!tpu.dma_semaphore, #tpu.memory_space<semaphore_mem>>)
        %dma_wait3A_134 = arith.constant 0 : i32
        %dma_wait3A_135 = tpu.memref_slice %arg7[%add3A_122, %dma_wait3A_134] : memref<40x128xi32, #tpu.memory_space<vmem>> -> memref<1x128xi32, #tpu.memory_space<vmem>>
        %dma_wait3A_136 = tpu.memref_squeeze %dma_wait3A_135 : memref<1x128xi32, #tpu.memory_space<vmem>> -> memref<128xi32, #tpu.memory_space<vmem>>
        %dma_wait3A_137 = arith.constant 0 : i32
        %dma_wait3A_138 = arith.constant 0 : i32
        %dma_wait3A_139 = tpu.memref_slice %arg2[%dma_wait3A_137, %dma_wait3A_138] : memref<10000x128xf32, #tpu.memory_space<hbm>> -> memref<10000x128xf32, #tpu.memory_space<hbm>>
        tpu.wait_indirect_dma semaphore(%arg12 : memref<!tpu.dma_semaphore, #tpu.memory_space<semaphore_mem>>) src(%dma_wait3A_139 : memref<10000x128xf32, #tpu.memory_space<hbm>>) dst(%arg10 : memref<128x128xf32, #tpu.memory_space<vmem>>)
        %dma_start3A_140 = arith.constant 0 : i32
        %dma_start3A_141 = tpu.memref_slice %arg8[%add3A_122, %dma_start3A_140] : memref<40x128xi32, #tpu.memory_space<vmem>> -> memref<1x128xi32, #tpu.memory_space<vmem>>
        %dma_start3A_142 = tpu.memref_squeeze %dma_start3A_141 : memref<1x128xi32, #tpu.memory_space<vmem>> -> memref<128xi32, #tpu.memory_space<vmem>>
        %dma_start3A_143 = arith.constant 0 : i32
        %dma_start3A_144 = arith.constant 0 : i32
        %dma_start3A_145 = tpu.memref_slice %arg6[%dma_start3A_143, %dma_start3A_144] : memref<10008x128xf32, #tpu.memory_space<vmem_shared>> -> memref<10008x128xf32, #tpu.memory_space<vmem_shared>>
        tpu.enqueue_indirect_dma source(%arg10 : memref<128x128xf32, #tpu.memory_space<vmem>>) target(%dma_start3A_145 : memref<10008x128xf32, #tpu.memory_space<vmem_shared>>) offsets(%dma_start3A_142 : memref<128xi32, #tpu.memory_space<vmem>>) semaphore(%arg14 : memref<!tpu.dma_semaphore, #tpu.memory_space<semaphore_mem>>) {add = true}
      }
      %scan3A_81 = arith.constant 20 : i32
      %dma_wait3A = arith.constant 38 : i32
      %dma_wait3A_82 = arith.constant 0 : i32
      %dma_wait3A_83 = tpu.memref_slice %arg8[%dma_wait3A, %dma_wait3A_82] : memref<40x128xi32, #tpu.memory_space<vmem>> -> memref<1x128xi32, #tpu.memory_space<vmem>>
      %dma_wait3A_84 = tpu.memref_squeeze %dma_wait3A_83 : memref<1x128xi32, #tpu.memory_space<vmem>> -> memref<128xi32, #tpu.memory_space<vmem>>
      %dma_wait3A_85 = arith.constant 0 : i32
      %dma_wait3A_86 = arith.constant 0 : i32
      %dma_wait3A_87 = tpu.memref_slice %arg6[%dma_wait3A_85, %dma_wait3A_86] : memref<10008x128xf32, #tpu.memory_space<vmem_shared>> -> memref<10008x128xf32, #tpu.memory_space<vmem_shared>>
      tpu.wait_indirect_dma semaphore(%arg13 : memref<!tpu.dma_semaphore, #tpu.memory_space<semaphore_mem>>) src(%arg9 : memref<128x128xf32, #tpu.memory_space<vmem>>) dst(%dma_wait3A_87 : memref<10008x128xf32, #tpu.memory_space<vmem_shared>>)
      %dma_wait3A_88 = arith.constant 39 : i32
      %dma_wait3A_89 = arith.constant 0 : i32
      %dma_wait3A_90 = tpu.memref_slice %arg8[%dma_wait3A_88, %dma_wait3A_89] : memref<40x128xi32, #tpu.memory_space<vmem>> -> memref<1x128xi32, #tpu.memory_space<vmem>>
      %dma_wait3A_91 = tpu.memref_squeeze %dma_wait3A_90 : memref<1x128xi32, #tpu.memory_space<vmem>> -> memref<128xi32, #tpu.memory_space<vmem>>
      %dma_wait3A_92 = arith.constant 0 : i32
      %dma_wait3A_93 = arith.constant 0 : i32
      %dma_wait3A_94 = tpu.memref_slice %arg6[%dma_wait3A_92, %dma_wait3A_93] : memref<10008x128xf32, #tpu.memory_space<vmem_shared>> -> memref<10008x128xf32, #tpu.memory_space<vmem_shared>>
      tpu.wait_indirect_dma semaphore(%arg14 : memref<!tpu.dma_semaphore, #tpu.memory_space<semaphore_mem>>) src(%arg10 : memref<128x128xf32, #tpu.memory_space<vmem>>) dst(%dma_wait3A_94 : memref<10008x128xf32, #tpu.memory_space<vmem_shared>>)
    }
    %while3A_51 = arith.constant 1 : i32
    scf.for %while3A_71 = %while3A_49 to %while3A_45 step %while3A_51  : i32 {
      %mul3A_72 = arith.muli %while3A_71, %while3A_41 : i32
      %add3A_73 = arith.addi %while3A_42, %mul3A_72 : i32
      %mul3A_74 = arith.constant 40 : i32
      %mul3A_75 = arith.muli %add3A_73, %mul3A_74 : i32
      %add3A_76 = arith.addi %select_n3A_32, %mul3A_75 : i32
      %multiple_of3A = tpu.assume_multiple %add3A_76, 8 : i32
      "tpu.region"() ({
        %run_scoped3A = tpu.sem_alloc : memref<!tpu.dma_semaphore, #tpu.memory_space<semaphore_mem>>
        %dma_start3A = arith.constant 0 : i32
        %dma_start3A_95 = tpu.memref_slice %arg3[%multiple_of3A, %dma_start3A] : memref<2560x128xi32, #tpu.memory_space<hbm>> -> memref<40x128xi32, #tpu.memory_space<hbm>>
        %dma_start3A_96 = arith.constant 0 : i32
        %dma_start3A_97 = tpu.memref_slice %arg3[%multiple_of3A, %dma_start3A_96] : memref<2560x128xi32, #tpu.memory_space<hbm>> -> memref<40x128xi32, #tpu.memory_space<hbm>>
        tpu.enqueue_dma source(%dma_start3A_97 : memref<40x128xi32, #tpu.memory_space<hbm>>) target(%arg7 : memref<40x128xi32, #tpu.memory_space<vmem>>) target_semaphore(%run_scoped3A : memref<!tpu.dma_semaphore, #tpu.memory_space<semaphore_mem>>)
        %dma_wait3A_98 = arith.constant 0 : i32
        %dma_wait3A_99 = tpu.memref_slice %arg3[%multiple_of3A, %dma_wait3A_98] : memref<2560x128xi32, #tpu.memory_space<hbm>> -> memref<40x128xi32, #tpu.memory_space<hbm>>
        %dma_wait3A_100 = arith.constant 0 : i32
        %dma_wait3A_101 = tpu.memref_slice %arg3[%multiple_of3A, %dma_wait3A_100] : memref<2560x128xi32, #tpu.memory_space<hbm>> -> memref<40x128xi32, #tpu.memory_space<hbm>>
        tpu.wait_dma2 semaphore(%run_scoped3A : memref<!tpu.dma_semaphore, #tpu.memory_space<semaphore_mem>>) src(%dma_wait3A_101 : memref<40x128xi32, #tpu.memory_space<hbm>>) dst(%arg7 : memref<40x128xi32, #tpu.memory_space<vmem>>)
        tpu.yield
      }) : () -> ()
      "tpu.region"() ({
        %run_scoped3A = tpu.sem_alloc : memref<!tpu.dma_semaphore, #tpu.memory_space<semaphore_mem>>
        %dma_start3A = arith.constant 0 : i32
        %dma_start3A_95 = tpu.memref_slice %arg4[%multiple_of3A, %dma_start3A] : memref<2560x128xi32, #tpu.memory_space<hbm>> -> memref<40x128xi32, #tpu.memory_space<hbm>>
        %dma_start3A_96 = arith.constant 0 : i32
        %dma_start3A_97 = tpu.memref_slice %arg4[%multiple_of3A, %dma_start3A_96] : memref<2560x128xi32, #tpu.memory_space<hbm>> -> memref<40x128xi32, #tpu.memory_space<hbm>>
        tpu.enqueue_dma source(%dma_start3A_97 : memref<40x128xi32, #tpu.memory_space<hbm>>) target(%arg8 : memref<40x128xi32, #tpu.memory_space<vmem>>) target_semaphore(%run_scoped3A : memref<!tpu.dma_semaphore, #tpu.memory_space<semaphore_mem>>)
        %dma_wait3A_98 = arith.constant 0 : i32
        %dma_wait3A_99 = tpu.memref_slice %arg4[%multiple_of3A, %dma_wait3A_98] : memref<2560x128xi32, #tpu.memory_space<hbm>> -> memref<40x128xi32, #tpu.memory_space<hbm>>
        %dma_wait3A_100 = arith.constant 0 : i32
        %dma_wait3A_101 = tpu.memref_slice %arg4[%multiple_of3A, %dma_wait3A_100] : memref<2560x128xi32, #tpu.memory_space<hbm>> -> memref<40x128xi32, #tpu.memory_space<hbm>>
        tpu.wait_dma2 semaphore(%run_scoped3A : memref<!tpu.dma_semaphore, #tpu.memory_space<semaphore_mem>>) src(%dma_wait3A_101 : memref<40x128xi32, #tpu.memory_space<hbm>>) dst(%arg8 : memref<40x128xi32, #tpu.memory_space<vmem>>)
        tpu.yield
      }) : () -> ()
      %scan3A_77 = arith.constant 0 : i32
      %scan3A_78 = arith.constant 20 : i32
      %scan3A_79 = arith.addi %scan3A_77, %scan3A_78 : i32
      %scan3A_80 = arith.constant 1 : i32
      scf.for %scan3A_95 = %scan3A_77 to %scan3A_79 step %scan3A_80  : i32 {
        %mul3A_96 = arith.constant 2 : i32
        %mul3A_97 = arith.muli %scan3A_95, %mul3A_96 : i32
        %add3A_98 = arith.constant 0 : i32
        %add3A_99 = arith.addi %add3A_98, %mul3A_97 : i32
        %add3A_100 = arith.constant 0 : i32
        %add3A_101 = arith.addi %add3A_99, %add3A_100 : i32
        %gt3A = arith.constant 0 : i32
        %gt3A_102 = arith.cmpi sgt, %add3A_99, %gt3A : i32
        %convert_element_type3A = arith.extui %gt3A_102 : i1 to i32
        %cond3A = arith.constant 0 : i32
        %cond3A_103 = arith.cmpi ne, %convert_element_type3A, %cond3A : i32
        scf.if %cond3A_103 {
          %dma_wait3A_146 = arith.constant 0 : i32
          %dma_wait3A_147 = tpu.memref_slice %arg8[%add3A_101, %dma_wait3A_146] : memref<40x128xi32, #tpu.memory_space<vmem>> -> memref<1x128xi32, #tpu.memory_space<vmem>>
          %dma_wait3A_148 = tpu.memref_squeeze %dma_wait3A_147 : memref<1x128xi32, #tpu.memory_space<vmem>> -> memref<128xi32, #tpu.memory_space<vmem>>
          %dma_wait3A_149 = arith.constant 0 : i32
          %dma_wait3A_150 = arith.constant 0 : i32
          %dma_wait3A_151 = tpu.memref_slice %arg6[%dma_wait3A_149, %dma_wait3A_150] : memref<10008x128xf32, #tpu.memory_space<vmem_shared>> -> memref<10008x128xf32, #tpu.memory_space<vmem_shared>>
          tpu.wait_indirect_dma semaphore(%arg13 : memref<!tpu.dma_semaphore, #tpu.memory_space<semaphore_mem>>) src(%arg9 : memref<128x128xf32, #tpu.memory_space<vmem>>) dst(%dma_wait3A_151 : memref<10008x128xf32, #tpu.memory_space<vmem_shared>>)
        } else {
        }
        %dma_start3A = arith.constant 0 : i32
        %dma_start3A_104 = tpu.memref_slice %arg7[%add3A_101, %dma_start3A] : memref<40x128xi32, #tpu.memory_space<vmem>> -> memref<1x128xi32, #tpu.memory_space<vmem>>
        %dma_start3A_105 = tpu.memref_squeeze %dma_start3A_104 : memref<1x128xi32, #tpu.memory_space<vmem>> -> memref<128xi32, #tpu.memory_space<vmem>>
        %dma_start3A_106 = arith.constant 0 : i32
        %dma_start3A_107 = arith.constant 0 : i32
        %dma_start3A_108 = tpu.memref_slice %arg2[%dma_start3A_106, %dma_start3A_107] : memref<10000x128xf32, #tpu.memory_space<hbm>> -> memref<10000x128xf32, #tpu.memory_space<hbm>>
        tpu.enqueue_indirect_dma source(%dma_start3A_108 : memref<10000x128xf32, #tpu.memory_space<hbm>>) target(%arg9 : memref<128x128xf32, #tpu.memory_space<vmem>>) offsets(%dma_start3A_105 : memref<128xi32, #tpu.memory_space<vmem>>) semaphore(%arg12 : memref<!tpu.dma_semaphore, #tpu.memory_space<semaphore_mem>>)
        %dma_wait3A_109 = arith.constant 0 : i32
        %dma_wait3A_110 = tpu.memref_slice %arg7[%add3A_101, %dma_wait3A_109] : memref<40x128xi32, #tpu.memory_space<vmem>> -> memref<1x128xi32, #tpu.memory_space<vmem>>
        %dma_wait3A_111 = tpu.memref_squeeze %dma_wait3A_110 : memref<1x128xi32, #tpu.memory_space<vmem>> -> memref<128xi32, #tpu.memory_space<vmem>>
        %dma_wait3A_112 = arith.constant 0 : i32
        %dma_wait3A_113 = arith.constant 0 : i32
        %dma_wait3A_114 = tpu.memref_slice %arg2[%dma_wait3A_112, %dma_wait3A_113] : memref<10000x128xf32, #tpu.memory_space<hbm>> -> memref<10000x128xf32, #tpu.memory_space<hbm>>
        tpu.wait_indirect_dma semaphore(%arg12 : memref<!tpu.dma_semaphore, #tpu.memory_space<semaphore_mem>>) src(%dma_wait3A_114 : memref<10000x128xf32, #tpu.memory_space<hbm>>) dst(%arg9 : memref<128x128xf32, #tpu.memory_space<vmem>>)
        %dma_start3A_115 = arith.constant 0 : i32
        %dma_start3A_116 = tpu.memref_slice %arg8[%add3A_101, %dma_start3A_115] : memref<40x128xi32, #tpu.memory_space<vmem>> -> memref<1x128xi32, #tpu.memory_space<vmem>>
        %dma_start3A_117 = tpu.memref_squeeze %dma_start3A_116 : memref<1x128xi32, #tpu.memory_space<vmem>> -> memref<128xi32, #tpu.memory_space<vmem>>
        %dma_start3A_118 = arith.constant 0 : i32
        %dma_start3A_119 = arith.constant 0 : i32
        %dma_start3A_120 = tpu.memref_slice %arg6[%dma_start3A_118, %dma_start3A_119] : memref<10008x128xf32, #tpu.memory_space<vmem_shared>> -> memref<10008x128xf32, #tpu.memory_space<vmem_shared>>
        tpu.enqueue_indirect_dma source(%arg9 : memref<128x128xf32, #tpu.memory_space<vmem>>) target(%dma_start3A_120 : memref<10008x128xf32, #tpu.memory_space<vmem_shared>>) offsets(%dma_start3A_117 : memref<128xi32, #tpu.memory_space<vmem>>) semaphore(%arg13 : memref<!tpu.dma_semaphore, #tpu.memory_space<semaphore_mem>>) {add = true}
        %add3A_121 = arith.constant 1 : i32
        %add3A_122 = arith.addi %add3A_99, %add3A_121 : i32
        %gt3A_123 = arith.constant 0 : i32
        %gt3A_124 = arith.cmpi sgt, %add3A_99, %gt3A_123 : i32
        %convert_element_type3A_125 = arith.extui %gt3A_124 : i1 to i32
        %cond3A_126 = arith.constant 0 : i32
        %cond3A_127 = arith.cmpi ne, %convert_element_type3A_125, %cond3A_126 : i32
        scf.if %cond3A_127 {
          %dma_wait3A_146 = arith.constant 0 : i32
          %dma_wait3A_147 = tpu.memref_slice %arg8[%add3A_122, %dma_wait3A_146] : memref<40x128xi32, #tpu.memory_space<vmem>> -> memref<1x128xi32, #tpu.memory_space<vmem>>
          %dma_wait3A_148 = tpu.memref_squeeze %dma_wait3A_147 : memref<1x128xi32, #tpu.memory_space<vmem>> -> memref<128xi32, #tpu.memory_space<vmem>>
          %dma_wait3A_149 = arith.constant 0 : i32
          %dma_wait3A_150 = arith.constant 0 : i32
          %dma_wait3A_151 = tpu.memref_slice %arg6[%dma_wait3A_149, %dma_wait3A_150] : memref<10008x128xf32, #tpu.memory_space<vmem_shared>> -> memref<10008x128xf32, #tpu.memory_space<vmem_shared>>
          tpu.wait_indirect_dma semaphore(%arg14 : memref<!tpu.dma_semaphore, #tpu.memory_space<semaphore_mem>>) src(%arg10 : memref<128x128xf32, #tpu.memory_space<vmem>>) dst(%dma_wait3A_151 : memref<10008x128xf32, #tpu.memory_space<vmem_shared>>)
        } else {
        }
        %dma_start3A_128 = arith.constant 0 : i32
        %dma_start3A_129 = tpu.memref_slice %arg7[%add3A_122, %dma_start3A_128] : memref<40x128xi32, #tpu.memory_space<vmem>> -> memref<1x128xi32, #tpu.memory_space<vmem>>
        %dma_start3A_130 = tpu.memref_squeeze %dma_start3A_129 : memref<1x128xi32, #tpu.memory_space<vmem>> -> memref<128xi32, #tpu.memory_space<vmem>>
        %dma_start3A_131 = arith.constant 0 : i32
        %dma_start3A_132 = arith.constant 0 : i32
        %dma_start3A_133 = tpu.memref_slice %arg2[%dma_start3A_131, %dma_start3A_132] : memref<10000x128xf32, #tpu.memory_space<hbm>> -> memref<10000x128xf32, #tpu.memory_space<hbm>>
        tpu.enqueue_indirect_dma source(%dma_start3A_133 : memref<10000x128xf32, #tpu.memory_space<hbm>>) target(%arg10 : memref<128x128xf32, #tpu.memory_space<vmem>>) offsets(%dma_start3A_130 : memref<128xi32, #tpu.memory_space<vmem>>) semaphore(%arg12 : memref<!tpu.dma_semaphore, #tpu.memory_space<semaphore_mem>>)
        %dma_wait3A_134 = arith.constant 0 : i32
        %dma_wait3A_135 = tpu.memref_slice %arg7[%add3A_122, %dma_wait3A_134] : memref<40x128xi32, #tpu.memory_space<vmem>> -> memref<1x128xi32, #tpu.memory_space<vmem>>
        %dma_wait3A_136 = tpu.memref_squeeze %dma_wait3A_135 : memref<1x128xi32, #tpu.memory_space<vmem>> -> memref<128xi32, #tpu.memory_space<vmem>>
        %dma_wait3A_137 = arith.constant 0 : i32
        %dma_wait3A_138 = arith.constant 0 : i32
        %dma_wait3A_139 = tpu.memref_slice %arg2[%dma_wait3A_137, %dma_wait3A_138] : memref<10000x128xf32, #tpu.memory_space<hbm>> -> memref<10000x128xf32, #tpu.memory_space<hbm>>
        tpu.wait_indirect_dma semaphore(%arg12 : memref<!tpu.dma_semaphore, #tpu.memory_space<semaphore_mem>>) src(%dma_wait3A_139 : memref<10000x128xf32, #tpu.memory_space<hbm>>) dst(%arg10 : memref<128x128xf32, #tpu.memory_space<vmem>>)
        %dma_start3A_140 = arith.constant 0 : i32
        %dma_start3A_141 = tpu.memref_slice %arg8[%add3A_122, %dma_start3A_140] : memref<40x128xi32, #tpu.memory_space<vmem>> -> memref<1x128xi32, #tpu.memory_space<vmem>>
        %dma_start3A_142 = tpu.memref_squeeze %dma_start3A_141 : memref<1x128xi32, #tpu.memory_space<vmem>> -> memref<128xi32, #tpu.memory_space<vmem>>
        %dma_start3A_143 = arith.constant 0 : i32
        %dma_start3A_144 = arith.constant 0 : i32
        %dma_start3A_145 = tpu.memref_slice %arg6[%dma_start3A_143, %dma_start3A_144] : memref<10008x128xf32, #tpu.memory_space<vmem_shared>> -> memref<10008x128xf32, #tpu.memory_space<vmem_shared>>
        tpu.enqueue_indirect_dma source(%arg10 : memref<128x128xf32, #tpu.memory_space<vmem>>) target(%dma_start3A_145 : memref<10008x128xf32, #tpu.memory_space<vmem_shared>>) offsets(%dma_start3A_142 : memref<128xi32, #tpu.memory_space<vmem>>) semaphore(%arg14 : memref<!tpu.dma_semaphore, #tpu.memory_space<semaphore_mem>>) {add = true}
      }
      %scan3A_81 = arith.constant 20 : i32
      %dma_wait3A = arith.constant 38 : i32
      %dma_wait3A_82 = arith.constant 0 : i32
      %dma_wait3A_83 = tpu.memref_slice %arg8[%dma_wait3A, %dma_wait3A_82] : memref<40x128xi32, #tpu.memory_space<vmem>> -> memref<1x128xi32, #tpu.memory_space<vmem>>
      %dma_wait3A_84 = tpu.memref_squeeze %dma_wait3A_83 : memref<1x128xi32, #tpu.memory_space<vmem>> -> memref<128xi32, #tpu.memory_space<vmem>>
      %dma_wait3A_85 = arith.constant 0 : i32
      %dma_wait3A_86 = arith.constant 0 : i32
      %dma_wait3A_87 = tpu.memref_slice %arg6[%dma_wait3A_85, %dma_wait3A_86] : memref<10008x128xf32, #tpu.memory_space<vmem_shared>> -> memref<10008x128xf32, #tpu.memory_space<vmem_shared>>
      tpu.wait_indirect_dma semaphore(%arg13 : memref<!tpu.dma_semaphore, #tpu.memory_space<semaphore_mem>>) src(%arg9 : memref<128x128xf32, #tpu.memory_space<vmem>>) dst(%dma_wait3A_87 : memref<10008x128xf32, #tpu.memory_space<vmem_shared>>)
      %dma_wait3A_88 = arith.constant 39 : i32
      %dma_wait3A_89 = arith.constant 0 : i32
      %dma_wait3A_90 = tpu.memref_slice %arg8[%dma_wait3A_88, %dma_wait3A_89] : memref<40x128xi32, #tpu.memory_space<vmem>> -> memref<1x128xi32, #tpu.memory_space<vmem>>
      %dma_wait3A_91 = tpu.memref_squeeze %dma_wait3A_90 : memref<1x128xi32, #tpu.memory_space<vmem>> -> memref<128xi32, #tpu.memory_space<vmem>>
      %dma_wait3A_92 = arith.constant 0 : i32
      %dma_wait3A_93 = arith.constant 0 : i32
      %dma_wait3A_94 = tpu.memref_slice %arg6[%dma_wait3A_92, %dma_wait3A_93] : memref<10008x128xf32, #tpu.memory_space<vmem_shared>> -> memref<10008x128xf32, #tpu.memory_space<vmem_shared>>
      tpu.wait_indirect_dma semaphore(%arg14 : memref<!tpu.dma_semaphore, #tpu.memory_space<semaphore_mem>>) src(%arg10 : memref<128x128xf32, #tpu.memory_space<vmem>>) dst(%dma_wait3A_94 : memref<10008x128xf32, #tpu.memory_space<vmem_shared>>)
    }
    %barrier3A_52 = arith.constant 0 : index
    tpu.barrier barrier_id(%barrier3A_52)
    %sub3A_53 = arith.constant 625 : i32
    %sub3A_54 = arith.subi %sub3A_53, %arg1 : i32
    %sub3A_55 = arith.constant 16 : i32
    %sub3A_56 = arith.constant 1 : i32
    %sub3A_57 = arith.subi %sub3A_55, %sub3A_56 : i32
    %add3A_58 = arith.addi %sub3A_54, %sub3A_57 : i32
    %div3A_59 = arith.constant 16 : i32
    %div3A_60 = arith.divsi %add3A_58, %div3A_59 : i32
    %while3A_61 = arith.constant 16 : i32
    %while3A_62 = arith.constant 0 : i32
    %while3A_63 = arith.subi %div3A_60, %while3A_62 : i32
    %while3A_64 = arith.addi %while3A_62, %while3A_63 : i32
    %while3A_65 = arith.constant 1 : i32
    %while3A_66 = arith.divsi %while3A_63, %while3A_65 : i32
    %while3A_67 = arith.muli %while3A_66, %while3A_65 : i32
    %while3A_68 = arith.addi %while3A_62, %while3A_67 : i32
    %while3A_69 = arith.constant 1 : i32
    scf.for %while3A_71 = %while3A_62 to %while3A_68 step %while3A_69  : i32 {
      %mul3A_72 = arith.muli %while3A_71, %while3A_61 : i32
      %add3A_73 = arith.addi %arg1, %mul3A_72 : i32
      %mul3A_74 = arith.constant 16 : i32
      %mul3A_75 = arith.muli %add3A_73, %mul3A_74 : i32
      %multiple_of3A = tpu.assume_multiple %mul3A_75, 8 : i32
      %mul3A_76 = arith.constant 10000 : i32
      %mul3A_77 = arith.muli %arg0, %mul3A_76 : i32
      %mul3A_78 = arith.constant 16 : i32
      %mul3A_79 = arith.muli %add3A_73, %mul3A_78 : i32
      %add3A_80 = arith.addi %mul3A_77, %mul3A_79 : i32
      %multiple_of3A_81 = tpu.assume_multiple %add3A_80, 8 : i32
      "tpu.region"() ({
        %run_scoped3A = tpu.sem_alloc : memref<!tpu.dma_semaphore, #tpu.memory_space<semaphore_mem>>
        %dma_start3A = arith.constant 0 : i32
        %dma_start3A_82 = tpu.memref_slice %arg5[%multiple_of3A_81, %dma_start3A] : memref<20000x128xf32, #tpu.memory_space<hbm>> -> memref<16x128xf32, #tpu.memory_space<hbm>>
        %dma_start3A_83 = arith.constant 0 : i32
        %dma_start3A_84 = tpu.memref_slice %arg6[%multiple_of3A, %dma_start3A_83] : memref<10008x128xf32, #tpu.memory_space<vmem_shared>> -> memref<16x128xf32, #tpu.memory_space<vmem_shared>>
        tpu.enqueue_dma source(%dma_start3A_84 : memref<16x128xf32, #tpu.memory_space<vmem_shared>>) target(%dma_start3A_82 : memref<16x128xf32, #tpu.memory_space<hbm>>) target_semaphore(%run_scoped3A : memref<!tpu.dma_semaphore, #tpu.memory_space<semaphore_mem>>)
        %dma_wait3A = arith.constant 0 : i32
        %dma_wait3A_85 = tpu.memref_slice %arg5[%multiple_of3A_81, %dma_wait3A] : memref<20000x128xf32, #tpu.memory_space<hbm>> -> memref<16x128xf32, #tpu.memory_space<hbm>>
        %dma_wait3A_86 = arith.constant 0 : i32
        %dma_wait3A_87 = tpu.memref_slice %arg6[%multiple_of3A, %dma_wait3A_86] : memref<10008x128xf32, #tpu.memory_space<vmem_shared>> -> memref<16x128xf32, #tpu.memory_space<vmem_shared>>
        tpu.wait_dma2 semaphore(%run_scoped3A : memref<!tpu.dma_semaphore, #tpu.memory_space<semaphore_mem>>) src(%dma_wait3A_87 : memref<16x128xf32, #tpu.memory_space<vmem_shared>>) dst(%dma_wait3A_85 : memref<16x128xf32, #tpu.memory_space<hbm>>)
        tpu.yield
      }) : () -> ()
    }
    %while3A_70 = arith.constant 1 : i32
    scf.for %while3A_71 = %while3A_68 to %while3A_64 step %while3A_70  : i32 {
      %mul3A_72 = arith.muli %while3A_71, %while3A_61 : i32
      %add3A_73 = arith.addi %arg1, %mul3A_72 : i32
      %mul3A_74 = arith.constant 16 : i32
      %mul3A_75 = arith.muli %add3A_73, %mul3A_74 : i32
      %multiple_of3A = tpu.assume_multiple %mul3A_75, 8 : i32
      %mul3A_76 = arith.constant 10000 : i32
      %mul3A_77 = arith.muli %arg0, %mul3A_76 : i32
      %mul3A_78 = arith.constant 16 : i32
      %mul3A_79 = arith.muli %add3A_73, %mul3A_78 : i32
      %add3A_80 = arith.addi %mul3A_77, %mul3A_79 : i32
      %multiple_of3A_81 = tpu.assume_multiple %add3A_80, 8 : i32
      "tpu.region"() ({
        %run_scoped3A = tpu.sem_alloc : memref<!tpu.dma_semaphore, #tpu.memory_space<semaphore_mem>>
        %dma_start3A = arith.constant 0 : i32
        %dma_start3A_82 = tpu.memref_slice %arg5[%multiple_of3A_81, %dma_start3A] : memref<20000x128xf32, #tpu.memory_space<hbm>> -> memref<16x128xf32, #tpu.memory_space<hbm>>
        %dma_start3A_83 = arith.constant 0 : i32
        %dma_start3A_84 = tpu.memref_slice %arg6[%multiple_of3A, %dma_start3A_83] : memref<10008x128xf32, #tpu.memory_space<vmem_shared>> -> memref<16x128xf32, #tpu.memory_space<vmem_shared>>
        tpu.enqueue_dma source(%dma_start3A_84 : memref<16x128xf32, #tpu.memory_space<vmem_shared>>) target(%dma_start3A_82 : memref<16x128xf32, #tpu.memory_space<hbm>>) target_semaphore(%run_scoped3A : memref<!tpu.dma_semaphore, #tpu.memory_space<semaphore_mem>>)
        %dma_wait3A = arith.constant 0 : i32
        %dma_wait3A_85 = tpu.memref_slice %arg5[%multiple_of3A_81, %dma_wait3A] : memref<20000x128xf32, #tpu.memory_space<hbm>> -> memref<16x128xf32, #tpu.memory_space<hbm>>
        %dma_wait3A_86 = arith.constant 0 : i32
        %dma_wait3A_87 = tpu.memref_slice %arg6[%multiple_of3A, %dma_wait3A_86] : memref<10008x128xf32, #tpu.memory_space<vmem_shared>> -> memref<16x128xf32, #tpu.memory_space<vmem_shared>>
        tpu.wait_dma2 semaphore(%run_scoped3A : memref<!tpu.dma_semaphore, #tpu.memory_space<semaphore_mem>>) src(%dma_wait3A_87 : memref<16x128xf32, #tpu.memory_space<vmem_shared>>) dst(%dma_wait3A_85 : memref<16x128xf32, #tpu.memory_space<hbm>>)
        tpu.yield
      }) : () -> ()
    }
    return
  }
}

#map = affine_map<(d0, d1) -> (0, 0)>
module attributes {stable_mosaic.version = 14 : i64} {
  func.func @spmm(%arg0: i32, %arg1: i32, %arg2: memref<10000x128xf32, #tpu.memory_space<hbm>>, %arg3: memref<2560x128xi32, #tpu.memory_space<hbm>>, %arg4: memref<2560x128xi32, #tpu.memory_space<hbm>>, %arg5: memref<20000x128xf32, #tpu.memory_space<hbm>>, %arg6: memref<10008x128xf32, #tpu.memory_space<vmem_shared>>, %arg7: memref<40x128xi32, #tpu.memory_space<vmem>>, %arg8: memref<40x128xi32, #tpu.memory_space<vmem>>, %arg9: memref<128x128xf32, #tpu.memory_space<vmem>>, %arg10: memref<128x128xf32, #tpu.memory_space<vmem>>, %arg11: memref<16x128xf32, #tpu.memory_space<vmem>>, %arg12: memref<!tpu.dma_semaphore, #tpu.memory_space<semaphore_mem>>, %arg13: memref<!tpu.dma_semaphore, #tpu.memory_space<semaphore_mem>>, %arg14: memref<!tpu.dma_semaphore, #tpu.memory_space<semaphore_mem>>) attributes {dimension_semantics = [#tpu.dimension_semantics<core_parallel>, #tpu.dimension_semantics<subcore_parallel>], iteration_bounds = array<i64: 2, 16>, scalar_prefetch = 0 : i64, scratch_operands = 9 : i64, tpu.core_type = #tpu.core_type<sc_vector_subcore>, window_params = [{transform_indices = #map}, {transform_indices = #map}, {transform_indices = #map}, {transform_indices = #map}]} {
    %broadcast_in_dim3A = arith.constant 0.000000e+00 : f32
    %broadcast_in_dim3A_0 = vector.broadcast %broadcast_in_dim3A : f32 to vector<16xf32>
    %scan3A = arith.constant 0 : i32
    %scan3A_1 = arith.constant 16 : i32
    %scan3A_2 = arith.addi %scan3A, %scan3A_1 : i32
    %scan3A_3 = arith.constant 1 : i32
    scf.for %scan3A_71 = %scan3A to %scan3A_2 step %scan3A_3  : i32 {
      %mul3A_72 = arith.constant 1 : i32
      %mul3A_73 = arith.muli %scan3A_71, %mul3A_72 : i32
      %add3A_74 = arith.constant 0 : i32
      %add3A_75 = arith.addi %add3A_74, %mul3A_73 : i32
      %scan3A_76 = arith.constant 0 : i32
      %scan3A_77 = arith.constant 8 : i32
      %scan3A_78 = arith.addi %scan3A_76, %scan3A_77 : i32
      %scan3A_79 = arith.constant 1 : i32
      scf.for %scan3A_81 = %scan3A_76 to %scan3A_78 step %scan3A_79  : i32 {
        %mul3A_82 = arith.constant 16 : i32
        %mul3A_83 = arith.muli %scan3A_81, %mul3A_82 : i32
        %add3A_84 = arith.constant 0 : i32
        %add3A_85 = arith.addi %add3A_84, %mul3A_83 : i32
        %swap3A = arith.index_cast %add3A_75 : i32 to index
        %swap3A_86 = arith.index_cast %add3A_85 : i32 to index
        %swap3A_87 = tpu.vector_load %arg11[%swap3A, %swap3A_86] {strides = array<i32>} : memref<16x128xf32, #tpu.memory_space<vmem>>, vector<1x16xf32>,
        %swap3A_88 = vector.shape_cast %swap3A_87 : vector<1x16xf32> to vector<16xf32>
        %swap3A_89 = vector.shape_cast %broadcast_in_dim3A_0 : vector<16xf32> to vector<1x16xf32>
        tpu.vector_store %arg11[%swap3A, %swap3A_86], %swap3A_89 {strides = array<i32>} : memref<16x128xf32, #tpu.memory_space<vmem>>, vector<1x16xf32>,
      }
      %scan3A_80 = arith.constant 8 : i32
    }
    %scan3A_4 = arith.constant 16 : i32
    %sub3A = arith.constant 625 : i32
    %sub3A_5 = arith.subi %sub3A, %arg1 : i32
    %sub3A_6 = arith.constant 16 : i32
    %sub3A_7 = arith.constant 1 : i32
    %sub3A_8 = arith.subi %sub3A_6, %sub3A_7 : i32
    %add3A = arith.addi %sub3A_5, %sub3A_8 : i32
    %div3A = arith.constant 16 : i32
    %div3A_9 = arith.divsi %add3A, %div3A : i32
    %while3A = arith.constant 16 : i32
    %while3A_10 = arith.constant 0 : i32
    %while3A_11 = arith.subi %div3A_9, %while3A_10 : i32
    %while3A_12 = arith.addi %while3A_10, %while3A_11 : i32
    %while3A_13 = arith.constant 1 : i32
    %while3A_14 = arith.divsi %while3A_11, %while3A_13 : i32
    %while3A_15 = arith.muli %while3A_14, %while3A_13 : i32
    %while3A_16 = arith.addi %while3A_10, %while3A_15 : i32
    %while3A_17 = arith.constant 1 : i32
    scf.for %while3A_71 = %while3A_10 to %while3A_16 step %while3A_17  : i32 {
      %mul3A_72 = arith.muli %while3A_71, %while3A : i32
      %add3A_73 = arith.addi %arg1, %mul3A_72 : i32
      %mul3A_74 = arith.constant 16 : i32
      %mul3A_75 = arith.muli %add3A_73, %mul3A_74 : i32
      %multiple_of3A = tpu.assume_multiple %mul3A_75, 8 : i32
      "tpu.region"() ({
        %run_scoped3A = tpu.sem_alloc : memref<!tpu.dma_semaphore, #tpu.memory_space<semaphore_mem>>
        %dma_start3A = arith.constant 0 : i32
        %dma_start3A_76 = tpu.memref_slice %arg6[%multiple_of3A, %dma_start3A] : memref<10008x128xf32, #tpu.memory_space<vmem_shared>> -> memref<16x128xf32, #tpu.memory_space<vmem_shared>>
        %dma_start3A_77 = arith.constant 0 : i32
        %dma_start3A_78 = tpu.memref_slice %arg6[%multiple_of3A, %dma_start3A_77] : memref<10008x128xf32, #tpu.memory_space<vmem_shared>> -> memref<16x128xf32, #tpu.memory_space<vmem_shared>>
        tpu.enqueue_dma source(%arg11 : memref<16x128xf32, #tpu.memory_space<vmem>>) target(%dma_start3A_78 : memref<16x128xf32, #tpu.memory_space<vmem_shared>>) target_semaphore(%run_scoped3A : memref<!tpu.dma_semaphore, #tpu.memory_space<semaphore_mem>>)
        %dma_wait3A = arith.constant 0 : i32
        %dma_wait3A_79 = tpu.memref_slice %arg6[%multiple_of3A, %dma_wait3A] : memref<10008x128xf32, #tpu.memory_space<vmem_shared>> -> memref<16x128xf32, #tpu.memory_space<vmem_shared>>
        %dma_wait3A_80 = arith.constant 0 : i32
        %dma_wait3A_81 = tpu.memref_slice %arg6[%multiple_of3A, %dma_wait3A_80] : memref<10008x128xf32, #tpu.memory_space<vmem_shared>> -> memref<16x128xf32, #tpu.memory_space<vmem_shared>>
        tpu.wait_dma2 semaphore(%run_scoped3A : memref<!tpu.dma_semaphore, #tpu.memory_space<semaphore_mem>>) src(%arg11 : memref<16x128xf32, #tpu.memory_space<vmem>>) dst(%dma_wait3A_81 : memref<16x128xf32, #tpu.memory_space<vmem_shared>>)
        tpu.yield
      }) : () -> ()
    }
    %while3A_18 = arith.constant 1 : i32
    scf.for %while3A_71 = %while3A_16 to %while3A_12 step %while3A_18  : i32 {
      %mul3A_72 = arith.muli %while3A_71, %while3A : i32
      %add3A_73 = arith.addi %arg1, %mul3A_72 : i32
      %mul3A_74 = arith.constant 16 : i32
      %mul3A_75 = arith.muli %add3A_73, %mul3A_74 : i32
      %multiple_of3A = tpu.assume_multiple %mul3A_75, 8 : i32
      "tpu.region"() ({
        %run_scoped3A = tpu.sem_alloc : memref<!tpu.dma_semaphore, #tpu.memory_space<semaphore_mem>>
        %dma_start3A = arith.constant 0 : i32
        %dma_start3A_76 = tpu.memref_slice %arg6[%multiple_of3A, %dma_start3A] : memref<10008x128xf32, #tpu.memory_space<vmem_shared>> -> memref<16x128xf32, #tpu.memory_space<vmem_shared>>
        %dma_start3A_77 = arith.constant 0 : i32
        %dma_start3A_78 = tpu.memref_slice %arg6[%multiple_of3A, %dma_start3A_77] : memref<10008x128xf32, #tpu.memory_space<vmem_shared>> -> memref<16x128xf32, #tpu.memory_space<vmem_shared>>
        tpu.enqueue_dma source(%arg11 : memref<16x128xf32, #tpu.memory_space<vmem>>) target(%dma_start3A_78 : memref<16x128xf32, #tpu.memory_space<vmem_shared>>) target_semaphore(%run_scoped3A : memref<!tpu.dma_semaphore, #tpu.memory_space<semaphore_mem>>)
        %dma_wait3A = arith.constant 0 : i32
        %dma_wait3A_79 = tpu.memref_slice %arg6[%multiple_of3A, %dma_wait3A] : memref<10008x128xf32, #tpu.memory_space<vmem_shared>> -> memref<16x128xf32, #tpu.memory_space<vmem_shared>>
        %dma_wait3A_80 = arith.constant 0 : i32
        %dma_wait3A_81 = tpu.memref_slice %arg6[%multiple_of3A, %dma_wait3A_80] : memref<10008x128xf32, #tpu.memory_space<vmem_shared>> -> memref<16x128xf32, #tpu.memory_space<vmem_shared>>
        tpu.wait_dma2 semaphore(%run_scoped3A : memref<!tpu.dma_semaphore, #tpu.memory_space<semaphore_mem>>) src(%arg11 : memref<16x128xf32, #tpu.memory_space<vmem>>) dst(%dma_wait3A_81 : memref<16x128xf32, #tpu.memory_space<vmem_shared>>)
        tpu.yield
      }) : () -> ()
    }
    %barrier3A = arith.constant 0 : index
    tpu.barrier barrier_id(%barrier3A)
    %eq3A = arith.constant 0 : i32
    %eq3A_19 = arith.cmpi eq, %arg0, %eq3A : i32
    %jit3A = arith.constant 2 : i32
    %jit3A_20 = arith.constant 2 : i32
    %select_n3A = arith.select %eq3A_19, %jit3A, %jit3A_20 : i32
    %eq3A_21 = arith.constant 0 : i32
    %eq3A_22 = arith.cmpi eq, %arg0, %eq3A_21 : i32
    %mul3A = arith.constant 2 : i32
    %mul3A_23 = arith.muli %arg1, %mul3A : i32
    %mul3A_24 = arith.constant 40 : i32
    %mul3A_25 = arith.muli %mul3A_23, %mul3A_24 : i32
    %mul3A_26 = arith.constant 2 : i32
    %mul3A_27 = arith.muli %arg1, %mul3A_26 : i32
    %add3A_28 = arith.constant 32 : i32
    %add3A_29 = arith.addi %add3A_28, %mul3A_27 : i32
    %mul3A_30 = arith.constant 40 : i32
    %mul3A_31 = arith.muli %add3A_29, %mul3A_30 : i32
    %select_n3A_32 = arith.select %eq3A_22, %mul3A_25, %mul3A_31 : i32
    %sub3A_33 = arith.constant 0 : i32
    %sub3A_34 = arith.subi %select_n3A, %sub3A_33 : i32
    %sub3A_35 = arith.constant 1 : i32
    %sub3A_36 = arith.constant 1 : i32
    %sub3A_37 = arith.subi %sub3A_35, %sub3A_36 : i32
    %add3A_38 = arith.addi %sub3A_34, %sub3A_37 : i32
    %div3A_39 = arith.constant 1 : i32
    %div3A_40 = arith.divsi %add3A_38, %div3A_39 : i32
    %while3A_41 = arith.constant 1 : i32
    %while3A_42 = arith.constant 0 : i32
    %while3A_43 = arith.constant 0 : i32
    %while3A_44 = arith.subi %div3A_40, %while3A_43 : i32
    %while3A_45 = arith.addi %while3A_43, %while3A_44 : i32
    %while3A_46 = arith.constant 1 : i32
    %while3A_47 = arith.divsi %while3A_44, %while3A_46 : i32
    %while3A_48 = arith.muli %while3A_47, %while3A_46 : i32
    %while3A_49 = arith.addi %while3A_43, %while3A_48 : i32
    %while3A_50 = arith.constant 1 : i32
    scf.for %while3A_71 = %while3A_43 to %while3A_49 step %while3A_50  : i32 {
      %mul3A_72 = arith.muli %while3A_71, %while3A_41 : i32
      %add3A_73 = arith.addi %while3A_42, %mul3A_72 : i32
      %mul3A_74 = arith.constant 40 : i32
      %mul3A_75 = arith.muli %add3A_73, %mul3A_74 : i32
      %add3A_76 = arith.addi %select_n3A_32, %mul3A_75 : i32
      %multiple_of3A = tpu.assume_multiple %add3A_76, 8 : i32
      "tpu.region"() ({
        %run_scoped3A = tpu.sem_alloc : memref<!tpu.dma_semaphore, #tpu.memory_space<semaphore_mem>>
        %dma_start3A = arith.constant 0 : i32
        %dma_start3A_95 = tpu.memref_slice %arg3[%multiple_of3A, %dma_start3A] : memref<2560x128xi32, #tpu.memory_space<hbm>> -> memref<40x128xi32, #tpu.memory_space<hbm>>
        %dma_start3A_96 = arith.constant 0 : i32
        %dma_start3A_97 = tpu.memref_slice %arg3[%multiple_of3A, %dma_start3A_96] : memref<2560x128xi32, #tpu.memory_space<hbm>> -> memref<40x128xi32, #tpu.memory_space<hbm>>
        tpu.enqueue_dma source(%dma_start3A_97 : memref<40x128xi32, #tpu.memory_space<hbm>>) target(%arg7 : memref<40x128xi32, #tpu.memory_space<vmem>>) target_semaphore(%run_scoped3A : memref<!tpu.dma_semaphore, #tpu.memory_space<semaphore_mem>>)
        %dma_wait3A_98 = arith.constant 0 : i32
        %dma_wait3A_99 = tpu.memref_slice %arg3[%multiple_of3A, %dma_wait3A_98] : memref<2560x128xi32, #tpu.memory_space<hbm>> -> memref<40x128xi32, #tpu.memory_space<hbm>>
        %dma_wait3A_100 = arith.constant 0 : i32
        %dma_wait3A_101 = tpu.memref_slice %arg3[%multiple_of3A, %dma_wait3A_100] : memref<2560x128xi32, #tpu.memory_space<hbm>> -> memref<40x128xi32, #tpu.memory_space<hbm>>
        tpu.wait_dma2 semaphore(%run_scoped3A : memref<!tpu.dma_semaphore, #tpu.memory_space<semaphore_mem>>) src(%dma_wait3A_101 : memref<40x128xi32, #tpu.memory_space<hbm>>) dst(%arg7 : memref<40x128xi32, #tpu.memory_space<vmem>>)
        tpu.yield
      }) : () -> ()
      "tpu.region"() ({
        %run_scoped3A = tpu.sem_alloc : memref<!tpu.dma_semaphore, #tpu.memory_space<semaphore_mem>>
        %dma_start3A = arith.constant 0 : i32
        %dma_start3A_95 = tpu.memref_slice %arg4[%multiple_of3A, %dma_start3A] : memref<2560x128xi32, #tpu.memory_space<hbm>> -> memref<40x128xi32, #tpu.memory_space<hbm>>
        %dma_start3A_96 = arith.constant 0 : i32
        %dma_start3A_97 = tpu.memref_slice %arg4[%multiple_of3A, %dma_start3A_96] : memref<2560x128xi32, #tpu.memory_space<hbm>> -> memref<40x128xi32, #tpu.memory_space<hbm>>
        tpu.enqueue_dma source(%dma_start3A_97 : memref<40x128xi32, #tpu.memory_space<hbm>>) target(%arg8 : memref<40x128xi32, #tpu.memory_space<vmem>>) target_semaphore(%run_scoped3A : memref<!tpu.dma_semaphore, #tpu.memory_space<semaphore_mem>>)
        %dma_wait3A_98 = arith.constant 0 : i32
        %dma_wait3A_99 = tpu.memref_slice %arg4[%multiple_of3A, %dma_wait3A_98] : memref<2560x128xi32, #tpu.memory_space<hbm>> -> memref<40x128xi32, #tpu.memory_space<hbm>>
        %dma_wait3A_100 = arith.constant 0 : i32
        %dma_wait3A_101 = tpu.memref_slice %arg4[%multiple_of3A, %dma_wait3A_100] : memref<2560x128xi32, #tpu.memory_space<hbm>> -> memref<40x128xi32, #tpu.memory_space<hbm>>
        tpu.wait_dma2 semaphore(%run_scoped3A : memref<!tpu.dma_semaphore, #tpu.memory_space<semaphore_mem>>) src(%dma_wait3A_101 : memref<40x128xi32, #tpu.memory_space<hbm>>) dst(%arg8 : memref<40x128xi32, #tpu.memory_space<vmem>>)
        tpu.yield
      }) : () -> ()
      %scan3A_77 = arith.constant 0 : i32
      %scan3A_78 = arith.constant 20 : i32
      %scan3A_79 = arith.addi %scan3A_77, %scan3A_78 : i32
      %scan3A_80 = arith.constant 1 : i32
      scf.for %scan3A_95 = %scan3A_77 to %scan3A_79 step %scan3A_80  : i32 {
        %mul3A_96 = arith.constant 2 : i32
        %mul3A_97 = arith.muli %scan3A_95, %mul3A_96 : i32
        %add3A_98 = arith.constant 0 : i32
        %add3A_99 = arith.addi %add3A_98, %mul3A_97 : i32
        %add3A_100 = arith.constant 0 : i32
        %add3A_101 = arith.addi %add3A_99, %add3A_100 : i32
        %gt3A = arith.constant 0 : i32
        %gt3A_102 = arith.cmpi sgt, %add3A_99, %gt3A : i32
        %convert_element_type3A = arith.extui %gt3A_102 : i1 to i32
        %cond3A = arith.constant 0 : i32
        %cond3A_103 = arith.cmpi ne, %convert_element_type3A, %cond3A : i32
        scf.if %cond3A_103 {
          %dma_wait3A_146 = arith.constant 0 : i32
          %dma_wait3A_147 = tpu.memref_slice %arg8[%add3A_101, %dma_wait3A_146] : memref<40x128xi32, #tpu.memory_space<vmem>> -> memref<1x128xi32, #tpu.memory_space<vmem>>
          %dma_wait3A_148 = tpu.memref_squeeze %dma_wait3A_147 : memref<1x128xi32, #tpu.memory_space<vmem>> -> memref<128xi32, #tpu.memory_space<vmem>>
          %dma_wait3A_149 = arith.constant 0 : i32
          %dma_wait3A_150 = arith.constant 0 : i32
          %dma_wait3A_151 = tpu.memref_slice %arg6[%dma_wait3A_149, %dma_wait3A_150] : memref<10008x128xf32, #tpu.memory_space<vmem_shared>> -> memref<10008x128xf32, #tpu.memory_space<vmem_shared>>
          tpu.wait_indirect_dma semaphore(%arg13 : memref<!tpu.dma_semaphore, #tpu.memory_space<semaphore_mem>>) src(%arg9 : memref<128x128xf32, #tpu.memory_space<vmem>>) dst(%dma_wait3A_151 : memref<10008x128xf32, #tpu.memory_space<vmem_shared>>)
        } else {
        }
        %dma_start3A = arith.constant 0 : i32
        %dma_start3A_104 = tpu.memref_slice %arg7[%add3A_101, %dma_start3A] : memref<40x128xi32, #tpu.memory_space<vmem>> -> memref<1x128xi32, #tpu.memory_space<vmem>>
        %dma_start3A_105 = tpu.memref_squeeze %dma_start3A_104 : memref<1x128xi32, #tpu.memory_space<vmem>> -> memref<128xi32, #tpu.memory_space<vmem>>
        %dma_start3A_106 = arith.constant 0 : i32
        %dma_start3A_107 = arith.constant 0 : i32
        %dma_start3A_108 = tpu.memref_slice %arg2[%dma_start3A_106, %dma_start3A_107] : memref<10000x128xf32, #tpu.memory_space<hbm>> -> memref<10000x128xf32, #tpu.memory_space<hbm>>
        tpu.enqueue_indirect_dma source(%dma_start3A_108 : memref<10000x128xf32, #tpu.memory_space<hbm>>) target(%arg9 : memref<128x128xf32, #tpu.memory_space<vmem>>) offsets(%dma_start3A_105 : memref<128xi32, #tpu.memory_space<vmem>>) semaphore(%arg12 : memref<!tpu.dma_semaphore, #tpu.memory_space<semaphore_mem>>)
        %dma_wait3A_109 = arith.constant 0 : i32
        %dma_wait3A_110 = tpu.memref_slice %arg7[%add3A_101, %dma_wait3A_109] : memref<40x128xi32, #tpu.memory_space<vmem>> -> memref<1x128xi32, #tpu.memory_space<vmem>>
        %dma_wait3A_111 = tpu.memref_squeeze %dma_wait3A_110 : memref<1x128xi32, #tpu.memory_space<vmem>> -> memref<128xi32, #tpu.memory_space<vmem>>
        %dma_wait3A_112 = arith.constant 0 : i32
        %dma_wait3A_113 = arith.constant 0 : i32
        %dma_wait3A_114 = tpu.memref_slice %arg2[%dma_wait3A_112, %dma_wait3A_113] : memref<10000x128xf32, #tpu.memory_space<hbm>> -> memref<10000x128xf32, #tpu.memory_space<hbm>>
        tpu.wait_indirect_dma semaphore(%arg12 : memref<!tpu.dma_semaphore, #tpu.memory_space<semaphore_mem>>) src(%dma_wait3A_114 : memref<10000x128xf32, #tpu.memory_space<hbm>>) dst(%arg9 : memref<128x128xf32, #tpu.memory_space<vmem>>)
        %dma_start3A_115 = arith.constant 0 : i32
        %dma_start3A_116 = tpu.memref_slice %arg8[%add3A_101, %dma_start3A_115] : memref<40x128xi32, #tpu.memory_space<vmem>> -> memref<1x128xi32, #tpu.memory_space<vmem>>
        %dma_start3A_117 = tpu.memref_squeeze %dma_start3A_116 : memref<1x128xi32, #tpu.memory_space<vmem>> -> memref<128xi32, #tpu.memory_space<vmem>>
        %dma_start3A_118 = arith.constant 0 : i32
        %dma_start3A_119 = arith.constant 0 : i32
        %dma_start3A_120 = tpu.memref_slice %arg6[%dma_start3A_118, %dma_start3A_119] : memref<10008x128xf32, #tpu.memory_space<vmem_shared>> -> memref<10008x128xf32, #tpu.memory_space<vmem_shared>>
        tpu.enqueue_indirect_dma source(%arg9 : memref<128x128xf32, #tpu.memory_space<vmem>>) target(%dma_start3A_120 : memref<10008x128xf32, #tpu.memory_space<vmem_shared>>) offsets(%dma_start3A_117 : memref<128xi32, #tpu.memory_space<vmem>>) semaphore(%arg13 : memref<!tpu.dma_semaphore, #tpu.memory_space<semaphore_mem>>) {add = true}
        %add3A_121 = arith.constant 1 : i32
        %add3A_122 = arith.addi %add3A_99, %add3A_121 : i32
        %gt3A_123 = arith.constant 0 : i32
        %gt3A_124 = arith.cmpi sgt, %add3A_99, %gt3A_123 : i32
        %convert_element_type3A_125 = arith.extui %gt3A_124 : i1 to i32
        %cond3A_126 = arith.constant 0 : i32
        %cond3A_127 = arith.cmpi ne, %convert_element_type3A_125, %cond3A_126 : i32
        scf.if %cond3A_127 {
          %dma_wait3A_146 = arith.constant 0 : i32
          %dma_wait3A_147 = tpu.memref_slice %arg8[%add3A_122, %dma_wait3A_146] : memref<40x128xi32, #tpu.memory_space<vmem>> -> memref<1x128xi32, #tpu.memory_space<vmem>>
          %dma_wait3A_148 = tpu.memref_squeeze %dma_wait3A_147 : memref<1x128xi32, #tpu.memory_space<vmem>> -> memref<128xi32, #tpu.memory_space<vmem>>
          %dma_wait3A_149 = arith.constant 0 : i32
          %dma_wait3A_150 = arith.constant 0 : i32
          %dma_wait3A_151 = tpu.memref_slice %arg6[%dma_wait3A_149, %dma_wait3A_150] : memref<10008x128xf32, #tpu.memory_space<vmem_shared>> -> memref<10008x128xf32, #tpu.memory_space<vmem_shared>>
          tpu.wait_indirect_dma semaphore(%arg14 : memref<!tpu.dma_semaphore, #tpu.memory_space<semaphore_mem>>) src(%arg10 : memref<128x128xf32, #tpu.memory_space<vmem>>) dst(%dma_wait3A_151 : memref<10008x128xf32, #tpu.memory_space<vmem_shared>>)
        } else {
        }
        %dma_start3A_128 = arith.constant 0 : i32
        %dma_start3A_129 = tpu.memref_slice %arg7[%add3A_122, %dma_start3A_128] : memref<40x128xi32, #tpu.memory_space<vmem>> -> memref<1x128xi32, #tpu.memory_space<vmem>>
        %dma_start3A_130 = tpu.memref_squeeze %dma_start3A_129 : memref<1x128xi32, #tpu.memory_space<vmem>> -> memref<128xi32, #tpu.memory_space<vmem>>
        %dma_start3A_131 = arith.constant 0 : i32
        %dma_start3A_132 = arith.constant 0 : i32
        %dma_start3A_133 = tpu.memref_slice %arg2[%dma_start3A_131, %dma_start3A_132] : memref<10000x128xf32, #tpu.memory_space<hbm>> -> memref<10000x128xf32, #tpu.memory_space<hbm>>
        tpu.enqueue_indirect_dma source(%dma_start3A_133 : memref<10000x128xf32, #tpu.memory_space<hbm>>) target(%arg10 : memref<128x128xf32, #tpu.memory_space<vmem>>) offsets(%dma_start3A_130 : memref<128xi32, #tpu.memory_space<vmem>>) semaphore(%arg12 : memref<!tpu.dma_semaphore, #tpu.memory_space<semaphore_mem>>)
        %dma_wait3A_134 = arith.constant 0 : i32
        %dma_wait3A_135 = tpu.memref_slice %arg7[%add3A_122, %dma_wait3A_134] : memref<40x128xi32, #tpu.memory_space<vmem>> -> memref<1x128xi32, #tpu.memory_space<vmem>>
        %dma_wait3A_136 = tpu.memref_squeeze %dma_wait3A_135 : memref<1x128xi32, #tpu.memory_space<vmem>> -> memref<128xi32, #tpu.memory_space<vmem>>
        %dma_wait3A_137 = arith.constant 0 : i32
        %dma_wait3A_138 = arith.constant 0 : i32
        %dma_wait3A_139 = tpu.memref_slice %arg2[%dma_wait3A_137, %dma_wait3A_138] : memref<10000x128xf32, #tpu.memory_space<hbm>> -> memref<10000x128xf32, #tpu.memory_space<hbm>>
        tpu.wait_indirect_dma semaphore(%arg12 : memref<!tpu.dma_semaphore, #tpu.memory_space<semaphore_mem>>) src(%dma_wait3A_139 : memref<10000x128xf32, #tpu.memory_space<hbm>>) dst(%arg10 : memref<128x128xf32, #tpu.memory_space<vmem>>)
        %dma_start3A_140 = arith.constant 0 : i32
        %dma_start3A_141 = tpu.memref_slice %arg8[%add3A_122, %dma_start3A_140] : memref<40x128xi32, #tpu.memory_space<vmem>> -> memref<1x128xi32, #tpu.memory_space<vmem>>
        %dma_start3A_142 = tpu.memref_squeeze %dma_start3A_141 : memref<1x128xi32, #tpu.memory_space<vmem>> -> memref<128xi32, #tpu.memory_space<vmem>>
        %dma_start3A_143 = arith.constant 0 : i32
        %dma_start3A_144 = arith.constant 0 : i32
        %dma_start3A_145 = tpu.memref_slice %arg6[%dma_start3A_143, %dma_start3A_144] : memref<10008x128xf32, #tpu.memory_space<vmem_shared>> -> memref<10008x128xf32, #tpu.memory_space<vmem_shared>>
        tpu.enqueue_indirect_dma source(%arg10 : memref<128x128xf32, #tpu.memory_space<vmem>>) target(%dma_start3A_145 : memref<10008x128xf32, #tpu.memory_space<vmem_shared>>) offsets(%dma_start3A_142 : memref<128xi32, #tpu.memory_space<vmem>>) semaphore(%arg14 : memref<!tpu.dma_semaphore, #tpu.memory_space<semaphore_mem>>) {add = true}
      }
      %scan3A_81 = arith.constant 20 : i32
      %dma_wait3A = arith.constant 38 : i32
      %dma_wait3A_82 = arith.constant 0 : i32
      %dma_wait3A_83 = tpu.memref_slice %arg8[%dma_wait3A, %dma_wait3A_82] : memref<40x128xi32, #tpu.memory_space<vmem>> -> memref<1x128xi32, #tpu.memory_space<vmem>>
      %dma_wait3A_84 = tpu.memref_squeeze %dma_wait3A_83 : memref<1x128xi32, #tpu.memory_space<vmem>> -> memref<128xi32, #tpu.memory_space<vmem>>
      %dma_wait3A_85 = arith.constant 0 : i32
      %dma_wait3A_86 = arith.constant 0 : i32
      %dma_wait3A_87 = tpu.memref_slice %arg6[%dma_wait3A_85, %dma_wait3A_86] : memref<10008x128xf32, #tpu.memory_space<vmem_shared>> -> memref<10008x128xf32, #tpu.memory_space<vmem_shared>>
      tpu.wait_indirect_dma semaphore(%arg13 : memref<!tpu.dma_semaphore, #tpu.memory_space<semaphore_mem>>) src(%arg9 : memref<128x128xf32, #tpu.memory_space<vmem>>) dst(%dma_wait3A_87 : memref<10008x128xf32, #tpu.memory_space<vmem_shared>>)
      %dma_wait3A_88 = arith.constant 39 : i32
      %dma_wait3A_89 = arith.constant 0 : i32
      %dma_wait3A_90 = tpu.memref_slice %arg8[%dma_wait3A_88, %dma_wait3A_89] : memref<40x128xi32, #tpu.memory_space<vmem>> -> memref<1x128xi32, #tpu.memory_space<vmem>>
      %dma_wait3A_91 = tpu.memref_squeeze %dma_wait3A_90 : memref<1x128xi32, #tpu.memory_space<vmem>> -> memref<128xi32, #tpu.memory_space<vmem>>
      %dma_wait3A_92 = arith.constant 0 : i32
      %dma_wait3A_93 = arith.constant 0 : i32
      %dma_wait3A_94 = tpu.memref_slice %arg6[%dma_wait3A_92, %dma_wait3A_93] : memref<10008x128xf32, #tpu.memory_space<vmem_shared>> -> memref<10008x128xf32, #tpu.memory_space<vmem_shared>>
      tpu.wait_indirect_dma semaphore(%arg14 : memref<!tpu.dma_semaphore, #tpu.memory_space<semaphore_mem>>) src(%arg10 : memref<128x128xf32, #tpu.memory_space<vmem>>) dst(%dma_wait3A_94 : memref<10008x128xf32, #tpu.memory_space<vmem_shared>>)
    }
    %while3A_51 = arith.constant 1 : i32
    scf.for %while3A_71 = %while3A_49 to %while3A_45 step %while3A_51  : i32 {
      %mul3A_72 = arith.muli %while3A_71, %while3A_41 : i32
      %add3A_73 = arith.addi %while3A_42, %mul3A_72 : i32
      %mul3A_74 = arith.constant 40 : i32
      %mul3A_75 = arith.muli %add3A_73, %mul3A_74 : i32
      %add3A_76 = arith.addi %select_n3A_32, %mul3A_75 : i32
      %multiple_of3A = tpu.assume_multiple %add3A_76, 8 : i32
      "tpu.region"() ({
        %run_scoped3A = tpu.sem_alloc : memref<!tpu.dma_semaphore, #tpu.memory_space<semaphore_mem>>
        %dma_start3A = arith.constant 0 : i32
        %dma_start3A_95 = tpu.memref_slice %arg3[%multiple_of3A, %dma_start3A] : memref<2560x128xi32, #tpu.memory_space<hbm>> -> memref<40x128xi32, #tpu.memory_space<hbm>>
        %dma_start3A_96 = arith.constant 0 : i32
        %dma_start3A_97 = tpu.memref_slice %arg3[%multiple_of3A, %dma_start3A_96] : memref<2560x128xi32, #tpu.memory_space<hbm>> -> memref<40x128xi32, #tpu.memory_space<hbm>>
        tpu.enqueue_dma source(%dma_start3A_97 : memref<40x128xi32, #tpu.memory_space<hbm>>) target(%arg7 : memref<40x128xi32, #tpu.memory_space<vmem>>) target_semaphore(%run_scoped3A : memref<!tpu.dma_semaphore, #tpu.memory_space<semaphore_mem>>)
        %dma_wait3A_98 = arith.constant 0 : i32
        %dma_wait3A_99 = tpu.memref_slice %arg3[%multiple_of3A, %dma_wait3A_98] : memref<2560x128xi32, #tpu.memory_space<hbm>> -> memref<40x128xi32, #tpu.memory_space<hbm>>
        %dma_wait3A_100 = arith.constant 0 : i32
        %dma_wait3A_101 = tpu.memref_slice %arg3[%multiple_of3A, %dma_wait3A_100] : memref<2560x128xi32, #tpu.memory_space<hbm>> -> memref<40x128xi32, #tpu.memory_space<hbm>>
        tpu.wait_dma2 semaphore(%run_scoped3A : memref<!tpu.dma_semaphore, #tpu.memory_space<semaphore_mem>>) src(%dma_wait3A_101 : memref<40x128xi32, #tpu.memory_space<hbm>>) dst(%arg7 : memref<40x128xi32, #tpu.memory_space<vmem>>)
        tpu.yield
      }) : () -> ()
      "tpu.region"() ({
        %run_scoped3A = tpu.sem_alloc : memref<!tpu.dma_semaphore, #tpu.memory_space<semaphore_mem>>
        %dma_start3A = arith.constant 0 : i32
        %dma_start3A_95 = tpu.memref_slice %arg4[%multiple_of3A, %dma_start3A] : memref<2560x128xi32, #tpu.memory_space<hbm>> -> memref<40x128xi32, #tpu.memory_space<hbm>>
        %dma_start3A_96 = arith.constant 0 : i32
        %dma_start3A_97 = tpu.memref_slice %arg4[%multiple_of3A, %dma_start3A_96] : memref<2560x128xi32, #tpu.memory_space<hbm>> -> memref<40x128xi32, #tpu.memory_space<hbm>>
        tpu.enqueue_dma source(%dma_start3A_97 : memref<40x128xi32, #tpu.memory_space<hbm>>) target(%arg8 : memref<40x128xi32, #tpu.memory_space<vmem>>) target_semaphore(%run_scoped3A : memref<!tpu.dma_semaphore, #tpu.memory_space<semaphore_mem>>)
        %dma_wait3A_98 = arith.constant 0 : i32
        %dma_wait3A_99 = tpu.memref_slice %arg4[%multiple_of3A, %dma_wait3A_98] : memref<2560x128xi32, #tpu.memory_space<hbm>> -> memref<40x128xi32, #tpu.memory_space<hbm>>
        %dma_wait3A_100 = arith.constant 0 : i32
        %dma_wait3A_101 = tpu.memref_slice %arg4[%multiple_of3A, %dma_wait3A_100] : memref<2560x128xi32, #tpu.memory_space<hbm>> -> memref<40x128xi32, #tpu.memory_space<hbm>>
        tpu.wait_dma2 semaphore(%run_scoped3A : memref<!tpu.dma_semaphore, #tpu.memory_space<semaphore_mem>>) src(%dma_wait3A_101 : memref<40x128xi32, #tpu.memory_space<hbm>>) dst(%arg8 : memref<40x128xi32, #tpu.memory_space<vmem>>)
        tpu.yield
      }) : () -> ()
      %scan3A_77 = arith.constant 0 : i32
      %scan3A_78 = arith.constant 20 : i32
      %scan3A_79 = arith.addi %scan3A_77, %scan3A_78 : i32
      %scan3A_80 = arith.constant 1 : i32
      scf.for %scan3A_95 = %scan3A_77 to %scan3A_79 step %scan3A_80  : i32 {
        %mul3A_96 = arith.constant 2 : i32
        %mul3A_97 = arith.muli %scan3A_95, %mul3A_96 : i32
        %add3A_98 = arith.constant 0 : i32
        %add3A_99 = arith.addi %add3A_98, %mul3A_97 : i32
        %add3A_100 = arith.constant 0 : i32
        %add3A_101 = arith.addi %add3A_99, %add3A_100 : i32
        %gt3A = arith.constant 0 : i32
        %gt3A_102 = arith.cmpi sgt, %add3A_99, %gt3A : i32
        %convert_element_type3A = arith.extui %gt3A_102 : i1 to i32
        %cond3A = arith.constant 0 : i32
        %cond3A_103 = arith.cmpi ne, %convert_element_type3A, %cond3A : i32
        scf.if %cond3A_103 {
          %dma_wait3A_146 = arith.constant 0 : i32
          %dma_wait3A_147 = tpu.memref_slice %arg8[%add3A_101, %dma_wait3A_146] : memref<40x128xi32, #tpu.memory_space<vmem>> -> memref<1x128xi32, #tpu.memory_space<vmem>>
          %dma_wait3A_148 = tpu.memref_squeeze %dma_wait3A_147 : memref<1x128xi32, #tpu.memory_space<vmem>> -> memref<128xi32, #tpu.memory_space<vmem>>
          %dma_wait3A_149 = arith.constant 0 : i32
          %dma_wait3A_150 = arith.constant 0 : i32
          %dma_wait3A_151 = tpu.memref_slice %arg6[%dma_wait3A_149, %dma_wait3A_150] : memref<10008x128xf32, #tpu.memory_space<vmem_shared>> -> memref<10008x128xf32, #tpu.memory_space<vmem_shared>>
          tpu.wait_indirect_dma semaphore(%arg13 : memref<!tpu.dma_semaphore, #tpu.memory_space<semaphore_mem>>) src(%arg9 : memref<128x128xf32, #tpu.memory_space<vmem>>) dst(%dma_wait3A_151 : memref<10008x128xf32, #tpu.memory_space<vmem_shared>>)
        } else {
        }
        %dma_start3A = arith.constant 0 : i32
        %dma_start3A_104 = tpu.memref_slice %arg7[%add3A_101, %dma_start3A] : memref<40x128xi32, #tpu.memory_space<vmem>> -> memref<1x128xi32, #tpu.memory_space<vmem>>
        %dma_start3A_105 = tpu.memref_squeeze %dma_start3A_104 : memref<1x128xi32, #tpu.memory_space<vmem>> -> memref<128xi32, #tpu.memory_space<vmem>>
        %dma_start3A_106 = arith.constant 0 : i32
        %dma_start3A_107 = arith.constant 0 : i32
        %dma_start3A_108 = tpu.memref_slice %arg2[%dma_start3A_106, %dma_start3A_107] : memref<10000x128xf32, #tpu.memory_space<hbm>> -> memref<10000x128xf32, #tpu.memory_space<hbm>>
        tpu.enqueue_indirect_dma source(%dma_start3A_108 : memref<10000x128xf32, #tpu.memory_space<hbm>>) target(%arg9 : memref<128x128xf32, #tpu.memory_space<vmem>>) offsets(%dma_start3A_105 : memref<128xi32, #tpu.memory_space<vmem>>) semaphore(%arg12 : memref<!tpu.dma_semaphore, #tpu.memory_space<semaphore_mem>>)
        %dma_wait3A_109 = arith.constant 0 : i32
        %dma_wait3A_110 = tpu.memref_slice %arg7[%add3A_101, %dma_wait3A_109] : memref<40x128xi32, #tpu.memory_space<vmem>> -> memref<1x128xi32, #tpu.memory_space<vmem>>
        %dma_wait3A_111 = tpu.memref_squeeze %dma_wait3A_110 : memref<1x128xi32, #tpu.memory_space<vmem>> -> memref<128xi32, #tpu.memory_space<vmem>>
        %dma_wait3A_112 = arith.constant 0 : i32
        %dma_wait3A_113 = arith.constant 0 : i32
        %dma_wait3A_114 = tpu.memref_slice %arg2[%dma_wait3A_112, %dma_wait3A_113] : memref<10000x128xf32, #tpu.memory_space<hbm>> -> memref<10000x128xf32, #tpu.memory_space<hbm>>
        tpu.wait_indirect_dma semaphore(%arg12 : memref<!tpu.dma_semaphore, #tpu.memory_space<semaphore_mem>>) src(%dma_wait3A_114 : memref<10000x128xf32, #tpu.memory_space<hbm>>) dst(%arg9 : memref<128x128xf32, #tpu.memory_space<vmem>>)
        %dma_start3A_115 = arith.constant 0 : i32
        %dma_start3A_116 = tpu.memref_slice %arg8[%add3A_101, %dma_start3A_115] : memref<40x128xi32, #tpu.memory_space<vmem>> -> memref<1x128xi32, #tpu.memory_space<vmem>>
        %dma_start3A_117 = tpu.memref_squeeze %dma_start3A_116 : memref<1x128xi32, #tpu.memory_space<vmem>> -> memref<128xi32, #tpu.memory_space<vmem>>
        %dma_start3A_118 = arith.constant 0 : i32
        %dma_start3A_119 = arith.constant 0 : i32
        %dma_start3A_120 = tpu.memref_slice %arg6[%dma_start3A_118, %dma_start3A_119] : memref<10008x128xf32, #tpu.memory_space<vmem_shared>> -> memref<10008x128xf32, #tpu.memory_space<vmem_shared>>
        tpu.enqueue_indirect_dma source(%arg9 : memref<128x128xf32, #tpu.memory_space<vmem>>) target(%dma_start3A_120 : memref<10008x128xf32, #tpu.memory_space<vmem_shared>>) offsets(%dma_start3A_117 : memref<128xi32, #tpu.memory_space<vmem>>) semaphore(%arg13 : memref<!tpu.dma_semaphore, #tpu.memory_space<semaphore_mem>>) {add = true}
        %add3A_121 = arith.constant 1 : i32
        %add3A_122 = arith.addi %add3A_99, %add3A_121 : i32
        %gt3A_123 = arith.constant 0 : i32
        %gt3A_124 = arith.cmpi sgt, %add3A_99, %gt3A_123 : i32
        %convert_element_type3A_125 = arith.extui %gt3A_124 : i1 to i32
        %cond3A_126 = arith.constant 0 : i32
        %cond3A_127 = arith.cmpi ne, %convert_element_type3A_125, %cond3A_126 : i32
        scf.if %cond3A_127 {
          %dma_wait3A_146 = arith.constant 0 : i32
          %dma_wait3A_147 = tpu.memref_slice %arg8[%add3A_122, %dma_wait3A_146] : memref<40x128xi32, #tpu.memory_space<vmem>> -> memref<1x128xi32, #tpu.memory_space<vmem>>
          %dma_wait3A_148 = tpu.memref_squeeze %dma_wait3A_147 : memref<1x128xi32, #tpu.memory_space<vmem>> -> memref<128xi32, #tpu.memory_space<vmem>>
          %dma_wait3A_149 = arith.constant 0 : i32
          %dma_wait3A_150 = arith.constant 0 : i32
          %dma_wait3A_151 = tpu.memref_slice %arg6[%dma_wait3A_149, %dma_wait3A_150] : memref<10008x128xf32, #tpu.memory_space<vmem_shared>> -> memref<10008x128xf32, #tpu.memory_space<vmem_shared>>
          tpu.wait_indirect_dma semaphore(%arg14 : memref<!tpu.dma_semaphore, #tpu.memory_space<semaphore_mem>>) src(%arg10 : memref<128x128xf32, #tpu.memory_space<vmem>>) dst(%dma_wait3A_151 : memref<10008x128xf32, #tpu.memory_space<vmem_shared>>)
        } else {
        }
        %dma_start3A_128 = arith.constant 0 : i32
        %dma_start3A_129 = tpu.memref_slice %arg7[%add3A_122, %dma_start3A_128] : memref<40x128xi32, #tpu.memory_space<vmem>> -> memref<1x128xi32, #tpu.memory_space<vmem>>
        %dma_start3A_130 = tpu.memref_squeeze %dma_start3A_129 : memref<1x128xi32, #tpu.memory_space<vmem>> -> memref<128xi32, #tpu.memory_space<vmem>>
        %dma_start3A_131 = arith.constant 0 : i32
        %dma_start3A_132 = arith.constant 0 : i32
        %dma_start3A_133 = tpu.memref_slice %arg2[%dma_start3A_131, %dma_start3A_132] : memref<10000x128xf32, #tpu.memory_space<hbm>> -> memref<10000x128xf32, #tpu.memory_space<hbm>>
        tpu.enqueue_indirect_dma source(%dma_start3A_133 : memref<10000x128xf32, #tpu.memory_space<hbm>>) target(%arg10 : memref<128x128xf32, #tpu.memory_space<vmem>>) offsets(%dma_start3A_130 : memref<128xi32, #tpu.memory_space<vmem>>) semaphore(%arg12 : memref<!tpu.dma_semaphore, #tpu.memory_space<semaphore_mem>>)
        %dma_wait3A_134 = arith.constant 0 : i32
        %dma_wait3A_135 = tpu.memref_slice %arg7[%add3A_122, %dma_wait3A_134] : memref<40x128xi32, #tpu.memory_space<vmem>> -> memref<1x128xi32, #tpu.memory_space<vmem>>
        %dma_wait3A_136 = tpu.memref_squeeze %dma_wait3A_135 : memref<1x128xi32, #tpu.memory_space<vmem>> -> memref<128xi32, #tpu.memory_space<vmem>>
        %dma_wait3A_137 = arith.constant 0 : i32
        %dma_wait3A_138 = arith.constant 0 : i32
        %dma_wait3A_139 = tpu.memref_slice %arg2[%dma_wait3A_137, %dma_wait3A_138] : memref<10000x128xf32, #tpu.memory_space<hbm>> -> memref<10000x128xf32, #tpu.memory_space<hbm>>
        tpu.wait_indirect_dma semaphore(%arg12 : memref<!tpu.dma_semaphore, #tpu.memory_space<semaphore_mem>>) src(%dma_wait3A_139 : memref<10000x128xf32, #tpu.memory_space<hbm>>) dst(%arg10 : memref<128x128xf32, #tpu.memory_space<vmem>>)
        %dma_start3A_140 = arith.constant 0 : i32
        %dma_start3A_141 = tpu.memref_slice %arg8[%add3A_122, %dma_start3A_140] : memref<40x128xi32, #tpu.memory_space<vmem>> -> memref<1x128xi32, #tpu.memory_space<vmem>>
        %dma_start3A_142 = tpu.memref_squeeze %dma_start3A_141 : memref<1x128xi32, #tpu.memory_space<vmem>> -> memref<128xi32, #tpu.memory_space<vmem>>
        %dma_start3A_143 = arith.constant 0 : i32
        %dma_start3A_144 = arith.constant 0 : i32
        %dma_start3A_145 = tpu.memref_slice %arg6[%dma_start3A_143, %dma_start3A_144] : memref<10008x128xf32, #tpu.memory_space<vmem_shared>> -> memref<10008x128xf32, #tpu.memory_space<vmem_shared>>
        tpu.enqueue_indirect_dma source(%arg10 : memref<128x128xf32, #tpu.memory_space<vmem>>) target(%dma_start3A_145 : memref<10008x128xf32, #tpu.memory_space<vmem_shared>>) offsets(%dma_start3A_142 : memref<128xi32, #tpu.memory_space<vmem>>) semaphore(%arg14 : memref<!tpu.dma_semaphore, #tpu.memory_space<semaphore_mem>>) {add = true}
      }
      %scan3A_81 = arith.constant 20 : i32
      %dma_wait3A = arith.constant 38 : i32
      %dma_wait3A_82 = arith.constant 0 : i32
      %dma_wait3A_83 = tpu.memref_slice %arg8[%dma_wait3A, %dma_wait3A_82] : memref<40x128xi32, #tpu.memory_space<vmem>> -> memref<1x128xi32, #tpu.memory_space<vmem>>
      %dma_wait3A_84 = tpu.memref_squeeze %dma_wait3A_83 : memref<1x128xi32, #tpu.memory_space<vmem>> -> memref<128xi32, #tpu.memory_space<vmem>>
      %dma_wait3A_85 = arith.constant 0 : i32
      %dma_wait3A_86 = arith.constant 0 : i32
      %dma_wait3A_87 = tpu.memref_slice %arg6[%dma_wait3A_85, %dma_wait3A_86] : memref<10008x128xf32, #tpu.memory_space<vmem_shared>> -> memref<10008x128xf32, #tpu.memory_space<vmem_shared>>
      tpu.wait_indirect_dma semaphore(%arg13 : memref<!tpu.dma_semaphore, #tpu.memory_space<semaphore_mem>>) src(%arg9 : memref<128x128xf32, #tpu.memory_space<vmem>>) dst(%dma_wait3A_87 : memref<10008x128xf32, #tpu.memory_space<vmem_shared>>)
      %dma_wait3A_88 = arith.constant 39 : i32
      %dma_wait3A_89 = arith.constant 0 : i32
      %dma_wait3A_90 = tpu.memref_slice %arg8[%dma_wait3A_88, %dma_wait3A_89] : memref<40x128xi32, #tpu.memory_space<vmem>> -> memref<1x128xi32, #tpu.memory_space<vmem>>
      %dma_wait3A_91 = tpu.memref_squeeze %dma_wait3A_90 : memref<1x128xi32, #tpu.memory_space<vmem>> -> memref<128xi32, #tpu.memory_space<vmem>>
      %dma_wait3A_92 = arith.constant 0 : i32
      %dma_wait3A_93 = arith.constant 0 : i32
      %dma_wait3A_94 = tpu.memref_slice %arg6[%dma_wait3A_92, %dma_wait3A_93] : memref<10008x128xf32, #tpu.memory_space<vmem_shared>> -> memref<10008x128xf32, #tpu.memory_space<vmem_shared>>
      tpu.wait_indirect_dma semaphore(%arg14 : memref<!tpu.dma_semaphore, #tpu.memory_space<semaphore_mem>>) src(%arg10 : memref<128x128xf32, #tpu.memory_space<vmem>>) dst(%dma_wait3A_94 : memref<10008x128xf32, #tpu.memory_space<vmem_shared>>)
    }
    %barrier3A_52 = arith.constant 0 : index
    tpu.barrier barrier_id(%barrier3A_52)
    %sub3A_53 = arith.constant 625 : i32
    %sub3A_54 = arith.subi %sub3A_53, %arg1 : i32
    %sub3A_55 = arith.constant 16 : i32
    %sub3A_56 = arith.constant 1 : i32
    %sub3A_57 = arith.subi %sub3A_55, %sub3A_56 : i32
    %add3A_58 = arith.addi %sub3A_54, %sub3A_57 : i32
    %div3A_59 = arith.constant 16 : i32
    %div3A_60 = arith.divsi %add3A_58, %div3A_59 : i32
    %while3A_61 = arith.constant 16 : i32
    %while3A_62 = arith.constant 0 : i32
    %while3A_63 = arith.subi %div3A_60, %while3A_62 : i32
    %while3A_64 = arith.addi %while3A_62, %while3A_63 : i32
    %while3A_65 = arith.constant 1 : i32
    %while3A_66 = arith.divsi %while3A_63, %while3A_65 : i32
    %while3A_67 = arith.muli %while3A_66, %while3A_65 : i32
    %while3A_68 = arith.addi %while3A_62, %while3A_67 : i32
    %while3A_69 = arith.constant 1 : i32
    scf.for %while3A_71 = %while3A_62 to %while3A_68 step %while3A_69  : i32 {
      %mul3A_72 = arith.muli %while3A_71, %while3A_61 : i32
      %add3A_73 = arith.addi %arg1, %mul3A_72 : i32
      %mul3A_74 = arith.constant 16 : i32
      %mul3A_75 = arith.muli %add3A_73, %mul3A_74 : i32
      %multiple_of3A = tpu.assume_multiple %mul3A_75, 8 : i32
      %mul3A_76 = arith.constant 10000 : i32
      %mul3A_77 = arith.muli %arg0, %mul3A_76 : i32
      %mul3A_78 = arith.constant 16 : i32
      %mul3A_79 = arith.muli %add3A_73, %mul3A_78 : i32
      %add3A_80 = arith.addi %mul3A_77, %mul3A_79 : i32
      %multiple_of3A_81 = tpu.assume_multiple %add3A_80, 8 : i32
      "tpu.region"() ({
        %run_scoped3A = tpu.sem_alloc : memref<!tpu.dma_semaphore, #tpu.memory_space<semaphore_mem>>
        %dma_start3A = arith.constant 0 : i32
        %dma_start3A_82 = tpu.memref_slice %arg5[%multiple_of3A_81, %dma_start3A] : memref<20000x128xf32, #tpu.memory_space<hbm>> -> memref<16x128xf32, #tpu.memory_space<hbm>>
        %dma_start3A_83 = arith.constant 0 : i32
        %dma_start3A_84 = tpu.memref_slice %arg6[%multiple_of3A, %dma_start3A_83] : memref<10008x128xf32, #tpu.memory_space<vmem_shared>> -> memref<16x128xf32, #tpu.memory_space<vmem_shared>>
        tpu.enqueue_dma source(%dma_start3A_84 : memref<16x128xf32, #tpu.memory_space<vmem_shared>>) target(%dma_start3A_82 : memref<16x128xf32, #tpu.memory_space<hbm>>) target_semaphore(%run_scoped3A : memref<!tpu.dma_semaphore, #tpu.memory_space<semaphore_mem>>)
        %dma_wait3A = arith.constant 0 : i32
        %dma_wait3A_85 = tpu.memref_slice %arg5[%multiple_of3A_81, %dma_wait3A] : memref<20000x128xf32, #tpu.memory_space<hbm>> -> memref<16x128xf32, #tpu.memory_space<hbm>>
        %dma_wait3A_86 = arith.constant 0 : i32
        %dma_wait3A_87 = tpu.memref_slice %arg6[%multiple_of3A, %dma_wait3A_86] : memref<10008x128xf32, #tpu.memory_space<vmem_shared>> -> memref<16x128xf32, #tpu.memory_space<vmem_shared>>
        tpu.wait_dma2 semaphore(%run_scoped3A : memref<!tpu.dma_semaphore, #tpu.memory_space<semaphore_mem>>) src(%dma_wait3A_87 : memref<16x128xf32, #tpu.memory_space<vmem_shared>>) dst(%dma_wait3A_85 : memref<16x128xf32, #tpu.memory_space<hbm>>)
        tpu.yield
      }) : () -> ()
    }
    %while3A_70 = arith.constant 1 : i32
    scf.for %while3A_71 = %while3A_68 to %while3A_64 step %while3A_70  : i32 {
      %mul3A_72 = arith.muli %while3A_71, %while3A_61 : i32
      %add3A_73 = arith.addi %arg1, %mul3A_72 : i32
      %mul3A_74 = arith.constant 16 : i32
      %mul3A_75 = arith.muli %add3A_73, %mul3A_74 : i32
      %multiple_of3A = tpu.assume_multiple %mul3A_75, 8 : i32
      %mul3A_76 = arith.constant 10000 : i32
      %mul3A_77 = arith.muli %arg0, %mul3A_76 : i32
      %mul3A_78 = arith.constant 16 : i32
      %mul3A_79 = arith.muli %add3A_73, %mul3A_78 : i32
      %add3A_80 = arith.addi %mul3A_77, %mul3A_79 : i32
      %multiple_of3A_81 = tpu.assume_multiple %add3A_80, 8 : i32
      "tpu.region"() ({
        %run_scoped3A = tpu.sem_alloc : memref<!tpu.dma_semaphore, #tpu.memory_space<semaphore_mem>>
        %dma_start3A = arith.constant 0 : i32
        %dma_start3A_82 = tpu.memref_slice %arg5[%multiple_of3A_81, %dma_start3A] : memref<20000x128xf32, #tpu.memory_space<hbm>> -> memref<16x128xf32, #tpu.memory_space<hbm>>
        %dma_start3A_83 = arith.constant 0 : i32
        %dma_start3A_84 = tpu.memref_slice %arg6[%multiple_of3A, %dma_start3A_83] : memref<10008x128xf32, #tpu.memory_space<vmem_shared>> -> memref<16x128xf32, #tpu.memory_space<vmem_shared>>
        tpu.enqueue_dma source(%dma_start3A_84 : memref<16x128xf32, #tpu.memory_space<vmem_shared>>) target(%dma_start3A_82 : memref<16x128xf32, #tpu.memory_space<hbm>>) target_semaphore(%run_scoped3A : memref<!tpu.dma_semaphore, #tpu.memory_space<semaphore_mem>>)
        %dma_wait3A = arith.constant 0 : i32
        %dma_wait3A_85 = tpu.memref_slice %arg5[%multiple_of3A_81, %dma_wait3A] : memref<20000x128xf32, #tpu.memory_space<hbm>> -> memref<16x128xf32, #tpu.memory_space<hbm>>
        %dma_wait3A_86 = arith.constant 0 : i32
        %dma_wait3A_87 = tpu.memref_slice %arg6[%multiple_of3A, %dma_wait3A_86] : memref<10008x128xf32, #tpu.memory_space<vmem_shared>> -> memref<16x128xf32, #tpu.memory_space<vmem_shared>>
        tpu.wait_dma2 semaphore(%run_scoped3A : memref<!tpu.dma_semaphore, #tpu.memory_space<semaphore_mem>>) src(%dma_wait3A_87 : memref<16x128xf32, #tpu.memory_space<vmem_shared>>) dst(%dma_wait3A_85 : memref<16x128xf32, #tpu.memory_space<hbm>>)
        tpu.yield
      }) : () -> ()
    }
    return
  }
}

module attributes {stable_mosaic.version = 14 : i64} {
  func.func @_mid_body(%arg0: i32, %arg1: memref<2x2000x128xf32, #tpu.memory_space<vmem>>, %arg2: memref<1x128xf32, #tpu.memory_space<vmem>>, %arg3: memref<128x128xf32, #tpu.memory_space<vmem>>, %arg4: memref<2000x128xf32, #tpu.memory_space<vmem>>) attributes {dimension_semantics = [#tpu.dimension_semantics<arbitrary>], iteration_bounds = array<i64: 5>, scalar_prefetch = 0 : i64, scratch_operands = 0 : i64, tpu.core_type = #tpu.core_type<tc>, window_params = [{transform_indices = @transform_0, window_bounds = array<i64: 2, 2000, 128>}, {pipeline_mode = #tpu.pipeline_mode<synchronous>, transform_indices = @transform_1, window_bounds = array<i64: 1, 128>}, {pipeline_mode = #tpu.pipeline_mode<synchronous>, transform_indices = @transform_2, window_bounds = array<i64: 128, 128>}, {transform_indices = @transform_3, window_bounds = array<i64: 2000, 128>}]} {
    %get3A = arith.constant 0 : index
    %get3A_0 = arith.constant 0 : index
    %get3A_1 = arith.constant 0 : index
    %get3A_2 = vector.load %arg1[%get3A, %get3A_0, %get3A_1] : memref<2x2000x128xf32, #tpu.memory_space<vmem>>, vector<1x2000x128xf32>
    %get3A_3 = vector.shape_cast %get3A_2 : vector<1x2000x128xf32> to vector<2000x128xf32>
    %get3A_4 = arith.constant 1 : index
    %get3A_5 = arith.constant 0 : index
    %get3A_6 = arith.constant 0 : index
    %get3A_7 = vector.load %arg1[%get3A_4, %get3A_5, %get3A_6] : memref<2x2000x128xf32, #tpu.memory_space<vmem>>, vector<1x2000x128xf32>
    %get3A_8 = vector.shape_cast %get3A_7 : vector<1x2000x128xf32> to vector<2000x128xf32>
    %add3A = arith.addf %get3A_3, %get3A_8 : vector<2000x128xf32>
    %get3A_9 = arith.constant 0 : index
    %get3A_10 = arith.constant 0 : index
    %get3A_11 = vector.load %arg2[%get3A_9, %get3A_10] : memref<1x128xf32, #tpu.memory_space<vmem>>, vector<1x128xf32>
    %add3A_12 = vector.broadcast %get3A_11 : vector<1x128xf32> to vector<2000x128xf32>
    %add3A_13 = arith.addf %add3A, %add3A_12 : vector<2000x128xf32>
    %max3A = arith.constant 0.000000e+00 : f32
    %max3A_14 = vector.broadcast %max3A : f32 to vector<2000x128xf32>
    %max3A_15 = arith.maximumf %add3A_13, %max3A_14 : vector<2000x128xf32>
    %get3A_16 = arith.constant 0 : index
    %get3A_17 = arith.constant 0 : index
    %get3A_18 = vector.load %arg3[%get3A_16, %get3A_17] : memref<128x128xf32, #tpu.memory_space<vmem>>, vector<128x128xf32>
    %dot_general3A = arith.constant dense<0.000000e+00> : vector<2000x128xf32>
    %dot_general3A_19 = tpu.matmul %max3A_15, %get3A_18, %dot_general3A {dimension_numbers = #tpu.dot_dimension_numbers<[1], [0], [0], [1], [0, 0, 1, 1], [], []>, precision = #tpu.contract_precision<fp32>, transpose_lhs_hint = false} : vector<2000x128xf32>, vector<128x128xf32>, vector<2000x128xf32> -> vector<2000x128xf32>
    %swap3A = arith.constant 0 : index
    %swap3A_20 = arith.constant 0 : index
    %swap3A_21 = vector.load %arg4[%swap3A, %swap3A_20] : memref<2000x128xf32, #tpu.memory_space<vmem>>, vector<2000x128xf32>
    tpu.vector_store %arg4[%swap3A, %swap3A_20], %dot_general3A_19 {strides = array<i32>} : memref<2000x128xf32, #tpu.memory_space<vmem>>, vector<2000x128xf32>,
    return
  }
  func.func @transform_0(%arg0: i32) -> (i32, i32, i32) {
    %c0_i32 = arith.constant 0 : i32
    %c0_i32_0 = arith.constant 0 : i32
    %c0_i32_1 = arith.constant 0 : i32
    return %c0_i32, %arg0, %c0_i32_0 : i32, i32, i32
  }
  func.func @transform_1(%arg0: i32) -> (i32, i32) {
    %c0_i32 = arith.constant 0 : i32
    %c0_i32_0 = arith.constant 0 : i32
    %c0_i32_1 = arith.constant 0 : i32
    return %c0_i32, %c0_i32_0 : i32, i32
  }
  func.func @transform_2(%arg0: i32) -> (i32, i32) {
    %c0_i32 = arith.constant 0 : i32
    %c0_i32_0 = arith.constant 0 : i32
    %c0_i32_1 = arith.constant 0 : i32
    return %c0_i32, %c0_i32_0 : i32, i32
  }
  func.func @transform_3(%arg0: i32) -> (i32, i32) {
    %c0_i32 = arith.constant 0 : i32
    %c0_i32_0 = arith.constant 0 : i32
    return %arg0, %c0_i32 : i32, i32
  }
}

module attributes {stable_mosaic.version = 14 : i64} {
  func.func @_matmul_body(%arg0: i32, %arg1: memref<2000x128xf32, #tpu.memory_space<vmem>>, %arg2: memref<128x128xf32, #tpu.memory_space<vmem>>, %arg3: memref<2000x128xf32, #tpu.memory_space<vmem>>) attributes {dimension_semantics = [#tpu.dimension_semantics<arbitrary>], iteration_bounds = array<i64: 5>, scalar_prefetch = 0 : i64, scratch_operands = 0 : i64, tpu.core_type = #tpu.core_type<tc>, window_params = [{transform_indices = @transform_0, window_bounds = array<i64: 2000, 128>}, {pipeline_mode = #tpu.pipeline_mode<synchronous>, transform_indices = @transform_1, window_bounds = array<i64: 128, 128>}, {transform_indices = @transform_2, window_bounds = array<i64: 2000, 128>}]} {
    %get3A = arith.constant 0 : index
    %get3A_0 = arith.constant 0 : index
    %get3A_1 = vector.load %arg1[%get3A, %get3A_0] : memref<2000x128xf32, #tpu.memory_space<vmem>>, vector<2000x128xf32>
    %get3A_2 = arith.constant 0 : index
    %get3A_3 = arith.constant 0 : index
    %get3A_4 = vector.load %arg2[%get3A_2, %get3A_3] : memref<128x128xf32, #tpu.memory_space<vmem>>, vector<128x128xf32>
    %dot_general3A = arith.constant dense<0.000000e+00> : vector<2000x128xf32>
    %dot_general3A_5 = tpu.matmul %get3A_1, %get3A_4, %dot_general3A {dimension_numbers = #tpu.dot_dimension_numbers<[1], [0], [0], [1], [0, 0, 1, 1], [], []>, precision = #tpu.contract_precision<fp32>, transpose_lhs_hint = false} : vector<2000x128xf32>, vector<128x128xf32>, vector<2000x128xf32> -> vector<2000x128xf32>
    %swap3A = arith.constant 0 : index
    %swap3A_6 = arith.constant 0 : index
    %swap3A_7 = vector.load %arg3[%swap3A, %swap3A_6] : memref<2000x128xf32, #tpu.memory_space<vmem>>, vector<2000x128xf32>
    tpu.vector_store %arg3[%swap3A, %swap3A_6], %dot_general3A_5 {strides = array<i32>} : memref<2000x128xf32, #tpu.memory_space<vmem>>, vector<2000x128xf32>,
    return
  }
  func.func @transform_0(%arg0: i32) -> (i32, i32) {
    %c0_i32 = arith.constant 0 : i32
    %c0_i32_0 = arith.constant 0 : i32
    return %arg0, %c0_i32 : i32, i32
  }
  func.func @transform_1(%arg0: i32) -> (i32, i32) {
    %c0_i32 = arith.constant 0 : i32
    %c0_i32_0 = arith.constant 0 : i32
    %c0_i32_1 = arith.constant 0 : i32
    return %c0_i32, %c0_i32_0 : i32, i32
  }
  func.func @transform_2(%arg0: i32) -> (i32, i32) {
    %c0_i32 = arith.constant 0 : i32
    %c0_i32_0 = arith.constant 0 : i32
    return %arg0, %c0_i32 : i32, i32
  }
}

module attributes {stable_mosaic.version = 14 : i64} {
  func.func @_final_body(%arg0: i32, %arg1: memref<2x2000x128xf32, #tpu.memory_space<vmem>>, %arg2: memref<1x128xf32, #tpu.memory_space<vmem>>, %arg3: memref<2000x128xf32, #tpu.memory_space<vmem>>) attributes {dimension_semantics = [#tpu.dimension_semantics<arbitrary>], iteration_bounds = array<i64: 5>, scalar_prefetch = 0 : i64, scratch_operands = 0 : i64, tpu.core_type = #tpu.core_type<tc>, window_params = [{transform_indices = @transform_0, window_bounds = array<i64: 2, 2000, 128>}, {pipeline_mode = #tpu.pipeline_mode<synchronous>, transform_indices = @transform_1, window_bounds = array<i64: 1, 128>}, {transform_indices = @transform_2, window_bounds = array<i64: 2000, 128>}]} {
    %get3A = arith.constant 0 : index
    %get3A_0 = arith.constant 0 : index
    %get3A_1 = arith.constant 0 : index
    %get3A_2 = vector.load %arg1[%get3A, %get3A_0, %get3A_1] : memref<2x2000x128xf32, #tpu.memory_space<vmem>>, vector<1x2000x128xf32>
    %get3A_3 = vector.shape_cast %get3A_2 : vector<1x2000x128xf32> to vector<2000x128xf32>
    %get3A_4 = arith.constant 1 : index
    %get3A_5 = arith.constant 0 : index
    %get3A_6 = arith.constant 0 : index
    %get3A_7 = vector.load %arg1[%get3A_4, %get3A_5, %get3A_6] : memref<2x2000x128xf32, #tpu.memory_space<vmem>>, vector<1x2000x128xf32>
    %get3A_8 = vector.shape_cast %get3A_7 : vector<1x2000x128xf32> to vector<2000x128xf32>
    %add3A = arith.addf %get3A_3, %get3A_8 : vector<2000x128xf32>
    %get3A_9 = arith.constant 0 : index
    %get3A_10 = arith.constant 0 : index
    %get3A_11 = vector.load %arg2[%get3A_9, %get3A_10] : memref<1x128xf32, #tpu.memory_space<vmem>>, vector<1x128xf32>
    %add3A_12 = vector.broadcast %get3A_11 : vector<1x128xf32> to vector<2000x128xf32>
    %add3A_13 = arith.addf %add3A, %add3A_12 : vector<2000x128xf32>
    %max3A = arith.constant 0.000000e+00 : f32
    %max3A_14 = vector.broadcast %max3A : f32 to vector<2000x128xf32>
    %max3A_15 = arith.maximumf %add3A_13, %max3A_14 : vector<2000x128xf32>
    %swap3A = arith.constant 0 : index
    %swap3A_16 = arith.constant 0 : index
    %swap3A_17 = vector.load %arg3[%swap3A, %swap3A_16] : memref<2000x128xf32, #tpu.memory_space<vmem>>, vector<2000x128xf32>
    tpu.vector_store %arg3[%swap3A, %swap3A_16], %max3A_15 {strides = array<i32>} : memref<2000x128xf32, #tpu.memory_space<vmem>>, vector<2000x128xf32>,
    return
  }
  func.func @transform_0(%arg0: i32) -> (i32, i32, i32) {
    %c0_i32 = arith.constant 0 : i32
    %c0_i32_0 = arith.constant 0 : i32
    %c0_i32_1 = arith.constant 0 : i32
    return %c0_i32, %arg0, %c0_i32_0 : i32, i32, i32
  }
  func.func @transform_1(%arg0: i32) -> (i32, i32) {
    %c0_i32 = arith.constant 0 : i32
    %c0_i32_0 = arith.constant 0 : i32
    %c0_i32_1 = arith.constant 0 : i32
    return %c0_i32, %c0_i32_0 : i32, i32
  }
  func.func @transform_2(%arg0: i32) -> (i32, i32) {
    %c0_i32 = arith.constant 0 : i32
    %c0_i32_0 = arith.constant 0 : i32
    return %arg0, %c0_i32 : i32, i32
  }
}

</mosaic_0001>

<sc_bundles>
// kernel: kernel.10.cloned.1.call-start
scs
__scs_entry_jumppad:
0x0: {  	(pc) =	sbr.rel $0x88, $3  }
0x1: {  	(tag) =	ssettag $0x0;
	lr =	simm.s32 $0x1  }
0x2: {  	[smem:$0x3F9B] =	sst lr;
	_ =	strace $0xD0000000  }
0x3: {  	_ = 	snop  }
0x4: {  	_ = 	snop  }
0x5: {  	_ = 	snop  }
0x6: {  	_ = 	snop  }
0x7: {  	_ = 	snop  }
__scs_overlays_trampoline_lowered:
0x8: {  	[smem:$0x3FAA] =	sst s0  }
0x9: {  	[smem:$0x3FAB] =	sst s1  }
0xa: {  	[smem:$0x3FAC] =	sst s2  }
0xb: {  	[smem:$0x3FAD] =	sst s3  }
0xc: {  	[smem:$0x3FAE] =	sst s4  }
0xd: {  	[smem:$0x3FAF] =	sst s5  }
0xe: {  	[smem:$0x3FB0] =	sst s6  }
0xf: {  	[smem:$0x3FB1] =	sst s7  }
0x10: {  	[smem:$0x3FB2] =	sst s8  }
0x11: {  	[smem:$0x3FB3] =	sst s9;
	s0 =	simm.s32 @!p0 $0x0  }
0x12: {  	s1 =	sld [smem:$0x3F99];
	s0 =	simm.s32 @p0 $0x1  }
0x13: {  	[smem:$0x3FB4] =	sst s0;
	s0 =	simm.s32 @!p1 $0x0  }
0x14: {  	s2 =	sld [smem:$0x3F98];
	s0 =	simm.s32 @p1 $0x1  }
0x15: {  	[smem:$0x3FB5] =	sst s0;
	s0 =	simm.s32 @!p2 $0x0  }
0x16: {  	s3 =	sld [smem:$0x3FDB];
	s0 =	simm.s32 @p2 $0x1  }
0x17: {  	s4 =	simm.s32 $0x1BF5;
	[smem:$0x3FB7] =	sst s0  }
0x18: {  	s0 =	sld [smem:$0x3F9A];
	_ =	swait.ge [sflag:s4], $0x0  }
0x19: {  	s7 =	sld [smem:$0x3F9B]  }
0x1a: {  	s8 =	sadd.s32 $0xFFFFE003, lr  }
0x1b: {  	s9 =	sadd.s32 $0xFFFFFEF7, lr;
	s5 =	simm.s32 $0xFFFFFFFF;
	p2 =	slt.u32 s8, $0xFFFFF086  }
0x1c: {  	p1 =	slt.u32 s9, $0xF7A;
	s5 =	simm.s32 @!p2 $0x0  }
0x1d: {  	s5 =	simm.s32 @p1 $0x1;
	p0 =	seq.s32 s7, s2  }
0x1e: {  	s7 =	smul.u32 @!p0 $0xF7A, s2;
	p2 =	seq.s32 @!p0 s5, $0x0  }
0x1f: {  	s9 =	smul.u32 $0xF7A, s1;
	s8 =	simm.s32 @!p0 $0x1BF5;
	p2 =	por !p2, p0  }
0x20: {  	[sflag:s8] =	ssyncset.s32 @!p0 $0xFFFFF086;
	s6 =	sadd.s32 @!p0 s3, s7;
	s7 =	simm.s32 @!p0 $0x108  }
0x21: {  	s3 =	sadd.s32 s3, s9;
	s6 =	sadd.s32 @!p0 $0x88, s6;
	s7 =	simm.s32 @p2 $0x1082  }
0x22: {  	[simem:s7], [sflag:s8] =	dma.local @!p0 [hbm:s6], $0xF7A  }
0x23: {  	s9 =	sor.u32 $0xD0000000, s2;
	s6 =	simm.s32 $0x108;
	_ =	swait.ge @!p0 [sflag:s8], $0x0  }
0x24: {  	s3 =	sadd.s32 $0x88, s3;
	s6 =	simm.s32 @!p1 $0x1082;
	[sflag:s4] =	ssyncset.s32 $0xFFFFF086  }
0x25: {  	[simem:s6], [sflag:s4] =	dma.local [hbm:s3], $0xF7A  }
0x26: {  	[smem:$0x3F9B] =	sst s1;
	(tag) =	ssettag s2;
	_ =	strace s9  }
0x27: {  	s1 =	sld [smem:$0x3FAB]  }
0x28: {  	s2 =	sld [smem:$0x3FAC]  }
0x29: {  	s4 =	sld [smem:$0x3FAE]  }
0x2a: {  	p0 =	seq.s32 s5, $0x0;
	s5 =	sld [smem:$0x3FAF]  }
0x2b: {  	s6 =	sld [smem:$0x3FB0]  }
0x2c: {  	s7 =	sld [smem:$0x3FB1]  }
0x2d: {  	s3 =	simm.s32 $0x108;
	s8 =	sld [smem:$0x3FB2]  }
0x2e: {  	s3 =	simm.s32 @!p0 $0x1082;
	s9 =	sld [smem:$0x3FB3]  }
0x2f: {  	lr =	sadd.s32 s0, s3;
	s0 =	sld [smem:$0x3FAA]  }
0x30: {  	s3 =	sld [smem:$0x3FAD]  }
0x31: {  	[smem:$0x3FB6] =	sst s10  }
0x32: {  	s10 =	sld [smem:$0x3FB4];
	_ =	sdelay $0x3  }
0x33: {  	p0 =	seq.s32 s10, $0x1;
	s10 =	sld [smem:$0x3FB6];
	_ =	sdelay $0x3  }
0x34: {  	[smem:$0x3FB6] =	sst s10  }
0x35: {  	s10 =	sld [smem:$0x3FB5];
	_ =	sdelay $0x3  }
0x36: {  	p1 =	seq.s32 s10, $0x1;
	s10 =	sld [smem:$0x3FB6];
	_ =	sdelay $0x3  }
0x37: {  	[smem:$0x3FB6] =	sst s10  }
0x38: {  	s10 =	sld [smem:$0x3FB7]  }
0x39: {  	_ = 	snop;
	(pc) =	sbr.ind lr, $3  }
0x3a: {  	_ = 	snop  }
0x3b: {  	_ = 	snop  }
0x3c: {  	p2 =	seq.s32 s10, $0x1;
	s10 =	sld [smem:$0x3FB6]  }
0x3d: {  	_ =	shalt  }
0x3e: {  	_ =	shalt  }
0x3f: {  	_ =	shalt  }
0x40: {  	_ =	shalt  }
0x41: {  	_ =	shalt  }
0x42: {  	_ =	shalt  }
0x43: {  	_ =	shalt  }
0x44: {  	_ =	shalt  }
0x45: {  	_ =	shalt  }
0x46: {  	_ =	shalt  }
0x47: {  	_ =	shalt  }
0x48: {  	_ =	shalt  }
0x49: {  	_ =	shalt  }
0x4a: {  	_ =	shalt  }
0x4b: {  	_ =	shalt  }
0x4c: {  	_ =	shalt  }
0x4d: {  	_ =	shalt  }
0x4e: {  	_ =	shalt  }
0x4f: {  	_ =	shalt  }
0x50: {  	_ =	shalt  }
0x51: {  	_ =	shalt  }
0x52: {  	_ =	shalt  }
0x53: {  	_ =	shalt  }
0x54: {  	_ =	shalt  }
0x55: {  	_ =	shalt  }
0x56: {  	_ =	shalt  }
0x57: {  	_ =	shalt  }
0x58: {  	_ =	shalt  }
0x59: {  	_ =	shalt  }
0x5a: {  	_ =	shalt  }
0x5b: {  	_ =	shalt  }
0x5c: {  	_ =	shalt  }
0x5d: {  	_ =	shalt  }
0x5e: {  	_ =	shalt  }
0x5f: {  	_ =	shalt  }
0x60: {  	_ =	shalt  }
0x61: {  	_ =	shalt  }
0x62: {  	_ =	shalt  }
0x63: {  	_ =	shalt  }
0x64: {  	_ =	shalt  }
0x65: {  	_ =	shalt  }
0x66: {  	_ =	shalt  }
0x67: {  	_ =	shalt  }
0x68: {  	_ =	shalt  }
0x69: {  	_ =	shalt  }
0x6a: {  	_ =	shalt  }
0x6b: {  	_ =	shalt  }
0x6c: {  	_ =	shalt  }
0x6d: {  	_ =	shalt  }
0x6e: {  	_ =	shalt  }
0x6f: {  	_ =	shalt  }
0x70: {  	_ =	shalt  }
0x71: {  	_ =	shalt  }
0x72: {  	_ =	shalt  }
0x73: {  	_ =	shalt  }
0x74: {  	_ =	shalt  }
0x75: {  	_ =	shalt  }
0x76: {  	_ =	shalt  }
0x77: {  	_ =	shalt  }
0x78: {  	_ =	shalt  }
0x79: {  	_ =	shalt  }
0x7a: {  	_ =	shalt  }
0x7b: {  	_ =	shalt  }
0x7c: {  	_ =	shalt  }
0x7d: {  	_ =	shalt  }
0x7e: {  	_ =	shalt  }
0x7f: {  	_ =	shalt  }
0x80: {  	_ =	shalt  }
0x81: {  	_ =	shalt  }
0x82: {  	_ =	shalt  }
0x83: {  	_ =	shalt  }
0x84: {  	_ =	shalt  }
0x85: {  	_ =	shalt  }
0x86: {  	_ =	shalt  }
0x87: {  	_ =	shalt  }
.Lfunc_end0:
.L_simem_size_0:
called_computation.1_lowered:
.L_overlay_start_0:
0x88: {  	s2 =	sld [smem:$0x3FD9]  }
0x89: {  	s3 =	sld [smem:$0x3FFE];
	_ =	sdelay $0x1  }
0x8a: {  	s1 =	srdreg.scid  }
0x8b: {  	s0 =	sand.u32 $0x1, s1  }
0x8c: {  	s17 =	sshll.u32 s0, $0xA;
	s2 =	sadd.s32 s3, s2  }
0x8d: {  	s2 =	sadd.s32 s2, s17  }
0x8e: {  	[smem:$0x3FC2] =	sst s2  }
0x8f: {  	_ = 	snop  }
0x90: {  	s2 =	sld [smem:$0x3FD0];
	(tm) =	ssettm $0x1  }
0x91: {  	s18 =	sld [smem:$0x3FFB];
	_ =	sdelay $0x3  }
0x92: {  	_ =	strace s18  }
0x93: {  	s3 =	sld [smem:$0x3FFC];
	_ =	sdelay $0x3  }
0x94: {  	_ =	strace s3  }
0x95: {  	s3 =	sld [smem:$0x3FFD];
	_ =	sdelay $0x3  }
0x96: {  	_ =	strace s3  }
0x97: {  	_ =	strace $0x8FFFFFFF  }
0x98: {  	s19 =	sld [smem:$0x3FDB];
	_ =	sdelay $0x1  }
0x99: {  	s4 =	simm.s32 $_scs_section_size  }
0x9a: {  	s5 =	simm.s32 $_size__tile_overlayer_lowered;
	s6 =	simm.s32 $_tile_overlayer_lowered  }
0x9b: {  	s22 =	simm.s32 $0x1BFF;
	s21 =	sshll.u32 s6, $0x1;
	s3 =	sadd.s32 s4, s19  }
0x9c: {  	s7 =	simm.s32 $0x0;
	s20 =	sshll.u32 s5, $0x1;
	s5 =	sadd.s32 s21, s3  }
0x9d: {  	[timem:s7], [sflag:s22] =	dma.local [hbm:s5], s20  }
0x9e: {  	_ =	swait.ge [sflag:s22], s20  }
0x9f: {  	s4 =	ssub.s32 $0x0, s20;
	[sflag:s22] =	ssyncset.done $0x0  }
0xa0: {  	[sflag:s22] =	ssyncadd.s32 s4;
	_ =	sdelay $0x1  }
0xa1: {  	s23 =	simm.s32 $0x1B8B  }
0xa2: {  	_ =	swait.ge [sflag:s23], $0x1  }
0xa3: {  	[sflag:s23] =	ssyncset.done $0x0  }
0xa4: {  	s25 =	simm.s32 $0x1B8E;
	s24 =	sld [smem:$0x3FFE];
	[sflag:s23] =	ssyncadd.s32 $0xFFFFFFFF  }
0xa5: {  	s26 =	simm.s32 $execute0_lowered;
	[smem:$0x3FD2] =	sst s25  }
0xa6: {  	s5 =	sshll.u32 s26, $0x1;
	_ =	strace $0x80000049;
	[dreg:$0x1] =	wrdreg $0xFFFFFFFF  }
0xa7: {  	s28 =	simm.s32 $_size_execute0_lowered;
	s3 =	sadd.s32 s3, s5;
	[dreg:$0x0] =	wrdreg $0x0  }
0xa8: {  	s5 =	sshll.u32 s28, $0x1;
	[dreg:$0x2] =	wrdreg s3  }
0xa9: {  	[dreg:$0x3] =	wrdreg s5  }
0xaa: {  	[dreg:$0x4] =	wrdreg $0xC0  }
0xab: {  	_ =	task [dreg:s7], $0x5FFFF  }
0xac: {  	[dreg:$0x1] =	wrdreg $0xFFFFFFFF  }
0xad: {  	[dreg:$0x0] =	wrdreg $0x60  }
0xae: {  	[dreg:$0x2] =	wrdreg s2  }
0xaf: {  	[dreg:$0x3] =	wrdreg s24  }
0xb0: {  	[dreg:$0x4] =	wrdreg $0x0  }
0xb1: {  	[dreg:$0x5] =	wrdreg $0x9  }
0xb2: {  	_ =	task.clear_ibuf [dreg:s7], $0x6FFFF;
	_ =	strace $0x90000049  }
0xb3: {  	s29 =	simm.s32 $0x9;
	_ =	strace $0x8000004B  }
0xb4: {  	_ =	swait.ge [sflag:s29], $0x1  }
0xb5: {  	[sflag:s29] =	ssyncadd.s32 $0xFFFFFFFF  }
0xb6: {  	_ =	strace $0x9000004B  }
0xb7: {  	_ =	sfence  }
0xb8: {  	s30 =	sld [smem:$0x0];
	_ =	sdelay $0x2  }
0xb9: {  	s31 =	sshll.u32 s1, $0xD;
	s1 =	sshrl.u32 s1, $0x2  }
0xba: {  	s3 =	sand.u32 $0x4000, s31;
	s1 =	sadd.s32 s1, s30  }
0xbb: {  	s0 =	sor.u32 s3, s0;
	s1 =	sshll.u32 s1, $0x11  }
0xbc: {  	s0 =	sor.u32 s1, s0  }
0xbd: {  	s0 =	sadd.s32 $0x8F2B, s0  }
0xbe: {  	[sflag:s0] =	ssyncadd.remote.s32 $0x1  }
0xbf: {  	_ =	sfence.sel $0xFFFF  }
0xc0: {  	[dreg:$0x0] =	wrdreg $0xFFFFFFFF;
	(pc) =	sbr.abs _section_cstart, $3  }
0xc1: {  	[dreg:$0x1] =	wrdreg $0xFFFFFFFF  }
0xc2: {  	_ =	task.clear_ibuf [dreg:s7], $0x2FFFF;
	_ =	strace $0x9FFFFFFF  }
0xc3: {  	(tm) =	ssettm $0x7FFFFFFF  }
tec
execute0_lowered:
.L_overlay_start_1:
0x0: {  	(tag) =	ssettag $0x1  }
0x1: {  	s1 =	rddreg [dreg:$0x0]  }
0x2: {  	s5 =	rddreg [dreg:$0x1]  }
0x3: {  	s2 =	rddreg [dreg:$0x2]  }
0x4: {  	s0 =	rddreg [dreg:$0x3];
	s3 =	simm.s32 $0x0  }
0x5: {  	s4 =	srdreg.scid;
	s15 =	simm.s32 $0x138C0;
	s16 =	simm.s32 $0x14CC0  }
0x6: {  	s17 =	simm.s32 $0x80;
	s18 =	simm.s32 $0x160C0;
	s19 =	simm.s32 $0x1  }
0x7: {  	s20 =	simm.s32 $0x13940;
	s21 =	simm.s32 $0x1A0C0;
	s22 =	simm.s32 $0x14D40  }
0x8: {  	s23 =	simm.s32 $0x2;
	s24 =	simm.s32 $0x3;
	s25 =	simm.s32 $0x0  }
0x9: {  	[smem:$0x7FF] =	sst s3;
	s10 =	sadd.s32 $0xB400, s5;
	s11 =	sadd.s32 $0x1400, s5  }
0xa: {  	s6 =	sand.u32 $0x1, s4;
	s4 =	stileid.u32;
	_ =	strace $0x8000004A  }
0xb: {  	s7 =	smul.u32 $0x27100, s6;
	s8 =	ssub.s32 $0x2, s6;
	s12 =	ssub.s32 $0x280, s4  }
0xc: {  	s13 =	smul.u32 $0x500, s4;
	s29 =	sshll.u32 s4, $0xB;
	p0 =	seq.s32 s6, $0x0  }
0xd: {  	s31 =	sshll.u32 s4, $0x8;
	s9 =	sshrl.u32 s8, $0x1;
	s6 =	sadd.s32 s29, s2  }
0xe: {  	s14 =	sadd.s32 s7, s5;
	s28 =	ssub.s32 s8, s9;
	s9 =	sadd.s32 $0x5000, s13  }
0xf: {  	s5 =	sshrl.u32 s12, $0x4;
	s7 =	smax.u32 s28, $0x1;
	s9 =	smov.u32 @p0 s13  }
0x10: {  	s13 =	sadd.s32 s31, s14;
	s14 =	simm.s32 $0x4;
	s8 =	sadd.s32 s10, s9  }
0x11: {  	s30 =	sadd.s32 $0x280, s9;
	s9 =	sadd.s32 s11, s9;
	s12 =	sadd.s32 $0x15400, s13  }
0x12: {  	v0 =	vimm.f32 $0.0e+00;
	s13 =	simm.s32 $0x1E0C0;
	s10 =	sadd.s32 s10, s30;
	s11 =	sadd.s32 s11, s30  }
.LBB2_1:
0x13: {  	s26 =	simm.s32 $0x0;
	s28 =	simm.s32 $0x200  }
.LBB2_2:
0x14: {  	p0 =	sne.s32 s28, $0x1E00;
	[tilespmem:s26+$0x1E130] =	vst v0  }
0x15: {  	[tilespmem:s26+$0x1E0C0] =	vst v0  }
0x16: {  	[tilespmem:s26+$0x1E0D0] =	vst v0  }
.Ltmp0:
0x17: {  	[tilespmem:s26+$0x1E0E0] =	vst v0;
	(pc) =	sbr.rel @p0 .LBB2_2-.Ltmp0, $4  }
0x18: {  	[tilespmem:s26+$0x1E0F0] =	vst v0  }
0x19: {  	[tilespmem:s26+$0x1E100] =	vst v0  }
0x1a: {  	[tilespmem:s26+$0x1E110] =	vst v0  }
0x1b: {  	[tilespmem:s26+$0x1E120] =	vst v0;
	s26 =	sshra.s32 s28, $0x2;
	s28 =	sadd.s32 $0x200, s28  }
0x1c: {  	[tilespmem:s26+$0x1E130] =	vst v0  }
0x1d: {  	[tilespmem:s26+$0x1E0C0] =	vst v0  }
0x1e: {  	[tilespmem:s26+$0x1E0D0] =	vst v0  }
0x1f: {  	[tilespmem:s26+$0x1E0E0] =	vst v0  }
0x20: {  	[tilespmem:s26+$0x1E0F0] =	vst v0  }
0x21: {  	[tilespmem:s26+$0x1E100] =	vst v0;
	p0 =	sne.s32 s5, $0x1  }
.Ltmp1:
0x22: {  	[tilespmem:s26+$0x1E110] =	vst v0;
	(pc) =	sbr.rel @!p0 .LBB2_5-.Ltmp1, $4  }
0x23: {  	[tilespmem:s26+$0x1E120] =	vst v0  }
0x24: {  	[spmem:s6] =	stream.linear.scatter [tilespmem:s13], [sflag:$0x4], $0x800, $0x38;
	[tilespmem:$0x1E8C0] =	vst v63  }
0x25: {  	_ =	swait.ge [sflag:s14], $0x800  }
0x26: {  	s26 =	sadd.s32 $0xFFFFFFFF, s5;
	s28 =	smov.u32 s6;
	[sflag:s14] =	ssyncset.done $0x0  }
.LBB2_4:
0x27: {  	p1 =	sne.s32 s26, $0x1;
	[sflag:s14] =	ssyncadd.s32 $0xFFFFF800;
	s28 =	sadd.s32 $0x8000, s28  }
.Ltmp2:
0x28: {  	s26 =	sadd.s32 $0xFFFFFFFF, s26;
	(pc) =	sbr.rel @p1 .LBB2_4-.Ltmp2, $4  }
0x29: {  	_ = 	snop  }
0x2a: {  	[spmem:s28] =	stream.linear.scatter [tilespmem:s13], [sflag:$0x4], $0x800, $0x38;
	[tilespmem:$0x1E8C0] =	vst v63  }
0x2b: {  	_ =	swait.ge [sflag:s14], $0x800  }
0x2c: {  	[sflag:s14] =	ssyncset.done $0x0  }
.LBB2_5:
0x2d: {  	[sflag:s14] =	ssyncadd.s32 $0xFFFFF800  }
0x2e: {  	[bflag:$0x0] =	sbarrier.arrive $0xFFFF  }
0x2f: {  	[tilespmem:s15], [sflag:$0x4] =	stream.linear.gather [hbm4b:s8+s3], $0x1400, $0x38;
	[tilespmem:$0x1E8C0] =	vst v63  }
0x30: {  	_ =	swait.ge [sflag:s14], $0x1400  }
0x31: {  	[sflag:s14] =	ssyncset.done $0x0  }
0x32: {  	[sflag:s14] =	ssyncadd.s32 $0xFFFFEC00  }
0x33: {  	[tilespmem:s16], [sflag:$0x4] =	stream.linear.gather [hbm4b:s9+s3], $0x1400, $0x38;
	[tilespmem:$0x1E8C0] =	vst v63  }
0x34: {  	_ =	swait.ge [sflag:s14], $0x1400  }
0x35: {  	[sflag:s14] =	ssyncset.done $0x0  }
0x36: {  	[sflag:s14] =	ssyncadd.s32 $0xFFFFEC00  }
0x37: {  	[tilespmem:s18], [sflag:$0x1] =	stream.indirect.gather [hbm4b:s1+s17], $0x80, s15, s17, $0xb8;
	[tilespmem:$0x1E8C0] =	vst v63  }
0x38: {  	_ =	swait.ge [sflag:s19], $0x4000  }
0x39: {  	[sflag:s19] =	ssyncset.done $0x0  }
0x3a: {  	[sflag:s19] =	ssyncadd.s32 $0xFFFFC000  }
0x3b: {  	[spmem:s2] =	stream.indirect.scatter.add.f32 [tilespmem:s18], [sflag:$0x2], $0x80, s16, s17, $0xb8;
	[tilespmem:$0x1E8C0] =	vst v63  }
0x3c: {  	_ = 	snop  }
0x3d: {  	[tilespmem:s21], [sflag:$0x1] =	stream.indirect.gather [hbm4b:s1+s17], $0x80, s20, s17, $0xb8;
	[tilespmem:$0x1E8C0] =	vst v63  }
0x3e: {  	_ =	swait.ge [sflag:s19], $0x4000  }
0x3f: {  	[sflag:s19] =	ssyncset.done $0x0  }
0x40: {  	[sflag:s19] =	ssyncadd.s32 $0xFFFFC000  }
0x41: {  	[spmem:s2] =	stream.indirect.scatter.add.f32 [tilespmem:s21], [sflag:$0x3], $0x80, s22, s17, $0xb8;
	[tilespmem:$0x1E8C0] =	vst v63  }
0x42: {  	_ =	swait.ge [sflag:s23], $0x4000  }
0x43: {  	[sflag:s23] =	ssyncset.done $0x0  }
0x44: {  	s26 =	simm.s32 $0x139C0;
	[sflag:s23] =	ssyncadd.s32 $0xFFFFC000  }
0x45: {  	[tilespmem:s18], [sflag:$0x1] =	stream.indirect.gather [hbm4b:s1+s17], $0x80, s26, s17, $0xb8;
	[tilespmem:$0x1E8C0] =	vst v63  }
0x46: {  	_ =	swait.ge [sflag:s19], $0x4000  }
0x47: {  	[sflag:s19] =	ssyncset.done $0x0  }
0x48: {  	s30 =	simm.s32 $0x14DC0;
	[sflag:s19] =	ssyncadd.s32 $0xFFFFC000  }
0x49: {  	[spmem:s2] =	stream.indirect.scatter.add.f32 [tilespmem:s18], [sflag:$0x2], $0x80, s30, s17, $0xb8;
	[tilespmem:$0x1E8C0] =	vst v63  }
0x4a: {  	_ =	swait.ge [sflag:s24], $0x4000  }
0x4b: {  	[sflag:s24] =	ssyncset.done $0x0  }
0x4c: {  	s31 =	simm.s32 $0x13A40;
	[sflag:s24] =	ssyncadd.s32 $0xFFFFC000  }
0x4d: {  	[tilespmem:s21], [sflag:$0x1] =	stream.indirect.gather [hbm4b:s1+s17], $0x80, s31, s17, $0xb8;
	[tilespmem:$0x1E8C0] =	vst v63  }
0x4e: {  	_ =	swait.ge [sflag:s19], $0x4000  }
0x4f: {  	[sflag:s19] =	ssyncset.done $0x0  }
0x50: {  	s28 =	simm.s32 $0x14E40;
	s26 =	simm.s32 $0xFFFFB800;
	[sflag:s19] =	ssyncadd.s32 $0xFFFFC000  }
.LBB2_6:
0x51: {  	[spmem:s2] =	stream.indirect.scatter.add.f32 [tilespmem:s21], [sflag:$0x3], $0x80, s28, s17, $0xb8;
	[tilespmem:$0x1E8C0] =	vst v63  }
0x52: {  	s28 =	smov.u32 s26  }
0x53: {  	p1 =	sne.s32 s26, $0xFFFFFC00;
	s26 =	sadd.s32 $0x400, s26;
	_ =	swait.ge [sflag:s23], $0x4000  }
0x54: {  	s28 =	sshra.s32 s28, $0x2;
	[sflag:s23] =	ssyncset.done $0x0  }
0x55: {  	s29 =	sadd.s32 $0x14CC0, s28;
	[sflag:s23] =	ssyncadd.s32 $0xFFFFC000  }
0x56: {  	[tilespmem:s18], [sflag:$0x1] =	stream.indirect.gather [hbm4b:s1+s17], $0x80, s29, s17, $0xb8;
	[tilespmem:$0x1E8C0] =	vst v63  }
0x57: {  	_ =	swait.ge [sflag:s19], $0x4000  }
0x58: {  	[sflag:s19] =	ssyncset.done $0x0  }
0x59: {  	s29 =	sadd.s32 $0x160C0, s28;
	[sflag:s19] =	ssyncadd.s32 $0xFFFFC000  }
0x5a: {  	[spmem:s2] =	stream.indirect.scatter.add.f32 [tilespmem:s18], [sflag:$0x2], $0x80, s29, s17, $0xb8;
	[tilespmem:$0x1E8C0] =	vst v63  }
0x5b: {  	_ =	swait.ge [sflag:s24], $0x4000  }
0x5c: {  	[sflag:s24] =	ssyncset.done $0x0  }
.Ltmp3:
0x5d: {  	s29 =	sadd.s32 $0x14D40, s28;
	[sflag:s24] =	ssyncadd.s32 $0xFFFFC000;
	(pc) =	sbr.rel @p1 .LBB2_6-.Ltmp3, $4  }
0x5e: {  	[tilespmem:s21], [sflag:$0x1] =	stream.indirect.gather [hbm4b:s1+s17], $0x80, s29, s17, $0xb8;
	[tilespmem:$0x1E8C0] =	vst v63  }
0x5f: {  	_ =	swait.ge [sflag:s19], $0x4000  }
0x60: {  	[sflag:s19] =	ssyncset.done $0x0  }
0x61: {  	s28 =	sadd.s32 $0x16140, s28;
	[sflag:s19] =	ssyncadd.s32 $0xFFFFC000  }
0x62: {  	[spmem:s2] =	stream.indirect.scatter.add.f32 [tilespmem:s21], [sflag:$0x3], $0x80, s28, s17, $0xb8;
	[tilespmem:$0x1E8C0] =	vst v63  }
0x63: {  	_ =	swait.ge [sflag:s23], $0x4000  }
0x64: {  	[sflag:s23] =	ssyncset.done $0x0  }
0x65: {  	[sflag:s23] =	ssyncadd.s32 $0xFFFFC000  }
0x66: {  	_ =	swait.ge [sflag:s24], $0x4000  }
0x67: {  	[sflag:s24] =	ssyncset.done $0x0  }
0x68: {  	[sflag:s24] =	ssyncadd.s32 $0xFFFFC000  }
0x69: {  	[tilespmem:s15], [sflag:$0x4] =	stream.linear.gather [hbm4b:s10+s3], $0x1400, $0x38;
	[tilespmem:$0x1E8C0] =	vst v63  }
0x6a: {  	_ =	swait.ge [sflag:s14], $0x1400  }
0x6b: {  	[sflag:s14] =	ssyncset.done $0x0  }
0x6c: {  	[sflag:s14] =	ssyncadd.s32 $0xFFFFEC00  }
0x6d: {  	[tilespmem:s16], [sflag:$0x4] =	stream.linear.gather [hbm4b:s11+s3], $0x1400, $0x38;
	[tilespmem:$0x1E8C0] =	vst v63  }
0x6e: {  	_ =	swait.ge [sflag:s14], $0x1400  }
0x6f: {  	[sflag:s14] =	ssyncset.done $0x0  }
0x70: {  	[sflag:s14] =	ssyncadd.s32 $0xFFFFEC00  }
0x71: {  	[tilespmem:s18], [sflag:$0x1] =	stream.indirect.gather [hbm4b:s1+s17], $0x80, s15, s17, $0xb8;
	[tilespmem:$0x1E8C0] =	vst v63  }
0x72: {  	_ =	swait.ge [sflag:s19], $0x4000  }
0x73: {  	[sflag:s19] =	ssyncset.done $0x0  }
0x74: {  	[sflag:s19] =	ssyncadd.s32 $0xFFFFC000  }
0x75: {  	[spmem:s2] =	stream.indirect.scatter.add.f32 [tilespmem:s18], [sflag:$0x2], $0x80, s16, s17, $0xb8;
	[tilespmem:$0x1E8C0] =	vst v63  }
0x76: {  	_ = 	snop  }
0x77: {  	[tilespmem:s21], [sflag:$0x1] =	stream.indirect.gather [hbm4b:s1+s17], $0x80, s20, s17, $0xb8;
	[tilespmem:$0x1E8C0] =	vst v63  }
0x78: {  	_ =	swait.ge [sflag:s19], $0x4000  }
0x79: {  	[sflag:s19] =	ssyncset.done $0x0  }
0x7a: {  	[sflag:s19] =	ssyncadd.s32 $0xFFFFC000  }
0x7b: {  	[spmem:s2] =	stream.indirect.scatter.add.f32 [tilespmem:s21], [sflag:$0x3], $0x80, s22, s17, $0xb8;
	[tilespmem:$0x1E8C0] =	vst v63  }
0x7c: {  	_ =	swait.ge [sflag:s23], $0x4000  }
0x7d: {  	[sflag:s23] =	ssyncset.done $0x0  }
0x7e: {  	s26 =	simm.s32 $0x139C0;
	[sflag:s23] =	ssyncadd.s32 $0xFFFFC000  }
0x7f: {  	[tilespmem:s18], [sflag:$0x1] =	stream.indirect.gather [hbm4b:s1+s17], $0x80, s26, s17, $0xb8;
	[tilespmem:$0x1E8C0] =	vst v63  }
0x80: {  	_ =	swait.ge [sflag:s19], $0x4000  }
0x81: {  	[sflag:s19] =	ssyncset.done $0x0  }
0x82: {  	s30 =	simm.s32 $0x14DC0;
	[sflag:s19] =	ssyncadd.s32 $0xFFFFC000  }
0x83: {  	[spmem:s2] =	stream.indirect.scatter.add.f32 [tilespmem:s18], [sflag:$0x2], $0x80, s30, s17, $0xb8;
	[tilespmem:$0x1E8C0] =	vst v63  }
0x84: {  	_ =	swait.ge [sflag:s24], $0x4000  }
0x85: {  	[sflag:s24] =	ssyncset.done $0x0  }
0x86: {  	s31 =	simm.s32 $0x13A40;
	[sflag:s24] =	ssyncadd.s32 $0xFFFFC000  }
0x87: {  	[tilespmem:s21], [sflag:$0x1] =	stream.indirect.gather [hbm4b:s1+s17], $0x80, s31, s17, $0xb8;
	[tilespmem:$0x1E8C0] =	vst v63  }
0x88: {  	_ =	swait.ge [sflag:s19], $0x4000  }
0x89: {  	[sflag:s19] =	ssyncset.done $0x0  }
0x8a: {  	s28 =	simm.s32 $0x14E40;
	s26 =	simm.s32 $0xFFFFB800;
	[sflag:s19] =	ssyncadd.s32 $0xFFFFC000  }
.LBB2_8:
0x8b: {  	[spmem:s2] =	stream.indirect.scatter.add.f32 [tilespmem:s21], [sflag:$0x3], $0x80, s28, s17, $0xb8;
	[tilespmem:$0x1E8C0] =	vst v63  }
0x8c: {  	s28 =	smov.u32 s26  }
0x8d: {  	p1 =	sne.s32 s26, $0xFFFFFC00;
	s26 =	sadd.s32 $0x400, s26;
	_ =	swait.ge [sflag:s23], $0x4000  }
0x8e: {  	s28 =	sshra.s32 s28, $0x2;
	[sflag:s23] =	ssyncset.done $0x0  }
0x8f: {  	s29 =	sadd.s32 $0x14CC0, s28;
	[sflag:s23] =	ssyncadd.s32 $0xFFFFC000  }
0x90: {  	[tilespmem:s18], [sflag:$0x1] =	stream.indirect.gather [hbm4b:s1+s17], $0x80, s29, s17, $0xb8;
	[tilespmem:$0x1E8C0] =	vst v63  }
0x91: {  	_ =	swait.ge [sflag:s19], $0x4000  }
0x92: {  	[sflag:s19] =	ssyncset.done $0x0  }
0x93: {  	s29 =	sadd.s32 $0x160C0, s28;
	[sflag:s19] =	ssyncadd.s32 $0xFFFFC000  }
0x94: {  	[spmem:s2] =	stream.indirect.scatter.add.f32 [tilespmem:s18], [sflag:$0x2], $0x80, s29, s17, $0xb8;
	[tilespmem:$0x1E8C0] =	vst v63  }
0x95: {  	_ =	swait.ge [sflag:s24], $0x4000  }
0x96: {  	[sflag:s24] =	ssyncset.done $0x0  }
.Ltmp4:
0x97: {  	s29 =	sadd.s32 $0x14D40, s28;
	[sflag:s24] =	ssyncadd.s32 $0xFFFFC000;
	(pc) =	sbr.rel @p1 .LBB2_8-.Ltmp4, $4  }
0x98: {  	[tilespmem:s21], [sflag:$0x1] =	stream.indirect.gather [hbm4b:s1+s17], $0x80, s29, s17, $0xb8;
	[tilespmem:$0x1E8C0] =	vst v63  }
0x99: {  	_ =	swait.ge [sflag:s19], $0x4000  }
0x9a: {  	[sflag:s19] =	ssyncset.done $0x0  }
0x9b: {  	s28 =	sadd.s32 $0x16140, s28;
	[sflag:s19] =	ssyncadd.s32 $0xFFFFC000  }
0x9c: {  	[spmem:s2] =	stream.indirect.scatter.add.f32 [tilespmem:s21], [sflag:$0x3], $0x80, s28, s17, $0xb8;
	[tilespmem:$0x1E8C0] =	vst v63  }
0x9d: {  	_ =	swait.ge [sflag:s23], $0x4000  }
0x9e: {  	[sflag:s23] =	ssyncset.done $0x0  }
0x9f: {  	[sflag:s23] =	ssyncadd.s32 $0xFFFFC000  }
0xa0: {  	_ =	swait.ge [sflag:s24], $0x4000  }
.Ltmp5:
0xa1: {  	[sflag:s24] =	ssyncset.done $0x0;
	(pc) =	sbr.rel @!p0 .LBB2_11-.Ltmp5, $4  }
0xa2: {  	s26 =	sshll.u32 s4, $0x6;
	s28 =	sshrl.u32 s6, $0x3;
	[sflag:s24] =	ssyncadd.s32 $0xFFFFC000  }
0xa3: {  	s29 =	sadd.s32 $0x1000, s12;
	s26 =	sor.u32 $0x1C04, s26;
	[bflag:$0x0] =	sbarrier.arrive $0xFFFF  }
0xa4: {  	[hbm:s12], [sflag:s26] =	dma.local [spmem:s28], $0x100  }
0xa5: {  	s30 =	smov.u32 s6;
	s28 =	sadd.s32 $0xFFFFFFFF, s5;
	_ =	swait.ge [sflag:s14], $0x100  }
.LBB2_10:
0xa6: {  	[sflag:s14] =	ssyncset.done $0x0;
	s30 =	sadd.s32 $0x8000, s30;
	p0 =	sne.s32 s28, $0x1  }
.Ltmp6:
0xa7: {  	s31 =	sshrl.u32 s30, $0x3;
	[sflag:s14] =	ssyncadd.s32 $0xFFFFFF00;
	(pc) =	sbr.rel @p0 .LBB2_10-.Ltmp6, $3  }
0xa8: {  	[hbm:s29], [sflag:s26] =	dma.local [spmem:s31], $0x100  }
0xa9: {  	s28 =	sadd.s32 $0xFFFFFFFF, s28;
	_ =	sdelay $0x1  }
0xaa: {  	s29 =	sadd.s32 $0x1000, s29;
	_ =	swait.ge [sflag:s14], $0x100  }
.LBB2_11:
0xab: {  	s25 =	sadd.s32 $0x1, s25  }
0xac: {  	p0 =	sne.s32 s25, s7  }
.Ltmp7:
0xad: {  	_ = 	snop;
	(pc) =	sbr.rel @p0 .LBB2_1-.Ltmp7, $3  }
0xae: {  	_ =	sdelay $0x1  }
0xaf: {  	[sflag:s14] =	ssyncset.done $0x0  }
0xb0: {  	[sflag:s14] =	ssyncadd.s32 $0xFFFFFF00  }
0xb1: {  	_ =	sfence.sel $0x180000  }
0xb2: {  	[bflag:$0x0] =	sbarrier.arrive $0xFFFF  }
0xb3: {  	p0 =	sne.s32 s4, $0x0;
	_ =	strace $0x9000004A  }
0xb4: {  	s0 =	sadd.s32 @!p0 $0x100000, s0;
	[bflag:$0x2] =	sbarrier.arrive $0xFFFF  }
0xb5: {  	[sflag:s0] =	ssyncadd.tile.s32 @!p0 $0x1;
	_ =	shalt  }
.Lfunc_end2:
_tile_overlayer_lowered:
.L_overlay_start_2:
0xb6: {  	(tag) =	ssettag $0x2  }
0xb7: {  	s0 =	rddreg [dreg:$0x0];
	s2 =	stileid.u32  }
0xb8: {  	s1 =	rddreg [dreg:$0x1];
	p0 =	sne.s32 s2, $0x0  }
0xb9: {  	s3 =	rddreg [dreg:$0x2];
	[bflag:$0x3] =	sbarrier.arrive $0xFFFF;
	s2 =	simm.s32 @!p0 $0x1C04  }
0xba: {  	[timem:s3], [sflag:s2] =	dma.local @!p0 [hbm:s0], s1  }
0xbb: {  	s0 =	simm.s32 @!p0 $0x4  }
0xbc: {  	_ =	swait.ge @!p0 [sflag:s0], s1  }
0xbd: {  	s1 =	ssub.s32 @!p0 $0x0, s1;
	[sflag:s0] =	ssyncset.done @!p0 $0x0  }
0xbe: {  	[sflag:s0] =	ssyncadd.s32 @!p0 s1  }
0xbf: {  	[bflag:$0x3] =	sbarrier.arrive $0xFFFF  }
0xc0: {  	_ =	shalt  }

// kernel: kernel.7.cloned.1.call-start
scs
__scs_entry_jumppad:
0x0: {  	(pc) =	sbr.rel $0x88, $3  }
0x1: {  	(tag) =	ssettag $0x0;
	lr =	simm.s32 $0x1  }
0x2: {  	[smem:$0x3F9B] =	sst lr;
	_ =	strace $0xD0000000  }
0x3: {  	_ = 	snop  }
0x4: {  	_ = 	snop  }
0x5: {  	_ = 	snop  }
0x6: {  	_ = 	snop  }
0x7: {  	_ = 	snop  }
__scs_overlays_trampoline_lowered:
0x8: {  	[smem:$0x3FAA] =	sst s0  }
0x9: {  	[smem:$0x3FAB] =	sst s1  }
0xa: {  	[smem:$0x3FAC] =	sst s2  }
0xb: {  	[smem:$0x3FAD] =	sst s3  }
0xc: {  	[smem:$0x3FAE] =	sst s4  }
0xd: {  	[smem:$0x3FAF] =	sst s5  }
0xe: {  	[smem:$0x3FB0] =	sst s6  }
0xf: {  	[smem:$0x3FB1] =	sst s7  }
0x10: {  	[smem:$0x3FB2] =	sst s8  }
0x11: {  	[smem:$0x3FB3] =	sst s9;
	s0 =	simm.s32 @!p0 $0x0  }
0x12: {  	s1 =	sld [smem:$0x3F99];
	s0 =	simm.s32 @p0 $0x1  }
0x13: {  	[smem:$0x3FB4] =	sst s0;
	s0 =	simm.s32 @!p1 $0x0  }
0x14: {  	s2 =	sld [smem:$0x3F98];
	s0 =	simm.s32 @p1 $0x1  }
0x15: {  	[smem:$0x3FB5] =	sst s0;
	s0 =	simm.s32 @!p2 $0x0  }
0x16: {  	s3 =	sld [smem:$0x3FDB];
	s0 =	simm.s32 @p2 $0x1  }
0x17: {  	s4 =	simm.s32 $0x1BF5;
	[smem:$0x3FB7] =	sst s0  }
0x18: {  	s0 =	sld [smem:$0x3F9A];
	_ =	swait.ge [sflag:s4], $0x0  }
0x19: {  	s7 =	sld [smem:$0x3F9B]  }
0x1a: {  	s8 =	sadd.s32 $0xFFFFE003, lr  }
0x1b: {  	s9 =	sadd.s32 $0xFFFFFEF7, lr;
	s5 =	simm.s32 $0xFFFFFFFF;
	p2 =	slt.u32 s8, $0xFFFFF086  }
0x1c: {  	p1 =	slt.u32 s9, $0xF7A;
	s5 =	simm.s32 @!p2 $0x0  }
0x1d: {  	s5 =	simm.s32 @p1 $0x1;
	p0 =	seq.s32 s7, s2  }
0x1e: {  	s7 =	smul.u32 @!p0 $0xF7A, s2;
	p2 =	seq.s32 @!p0 s5, $0x0  }
0x1f: {  	s9 =	smul.u32 $0xF7A, s1;
	s8 =	simm.s32 @!p0 $0x1BF5;
	p2 =	por !p2, p0  }
0x20: {  	[sflag:s8] =	ssyncset.s32 @!p0 $0xFFFFF086;
	s6 =	sadd.s32 @!p0 s3, s7;
	s7 =	simm.s32 @!p0 $0x108  }
0x21: {  	s3 =	sadd.s32 s3, s9;
	s6 =	sadd.s32 @!p0 $0x88, s6;
	s7 =	simm.s32 @p2 $0x1082  }
0x22: {  	[simem:s7], [sflag:s8] =	dma.local @!p0 [hbm:s6], $0xF7A  }
0x23: {  	s9 =	sor.u32 $0xD0000000, s2;
	s6 =	simm.s32 $0x108;
	_ =	swait.ge @!p0 [sflag:s8], $0x0  }
0x24: {  	s3 =	sadd.s32 $0x88, s3;
	s6 =	simm.s32 @!p1 $0x1082;
	[sflag:s4] =	ssyncset.s32 $0xFFFFF086  }
0x25: {  	[simem:s6], [sflag:s4] =	dma.local [hbm:s3], $0xF7A  }
0x26: {  	[smem:$0x3F9B] =	sst s1;
	(tag) =	ssettag s2;
	_ =	strace s9  }
0x27: {  	s1 =	sld [smem:$0x3FAB]  }
0x28: {  	s2 =	sld [smem:$0x3FAC]  }
0x29: {  	s4 =	sld [smem:$0x3FAE]  }
0x2a: {  	p0 =	seq.s32 s5, $0x0;
	s5 =	sld [smem:$0x3FAF]  }
0x2b: {  	s6 =	sld [smem:$0x3FB0]  }
0x2c: {  	s7 =	sld [smem:$0x3FB1]  }
0x2d: {  	s3 =	simm.s32 $0x108;
	s8 =	sld [smem:$0x3FB2]  }
0x2e: {  	s3 =	simm.s32 @!p0 $0x1082;
	s9 =	sld [smem:$0x3FB3]  }
0x2f: {  	lr =	sadd.s32 s0, s3;
	s0 =	sld [smem:$0x3FAA]  }
0x30: {  	s3 =	sld [smem:$0x3FAD]  }
0x31: {  	[smem:$0x3FB6] =	sst s10  }
0x32: {  	s10 =	sld [smem:$0x3FB4];
	_ =	sdelay $0x3  }
0x33: {  	p0 =	seq.s32 s10, $0x1;
	s10 =	sld [smem:$0x3FB6];
	_ =	sdelay $0x3  }
0x34: {  	[smem:$0x3FB6] =	sst s10  }
0x35: {  	s10 =	sld [smem:$0x3FB5];
	_ =	sdelay $0x3  }
0x36: {  	p1 =	seq.s32 s10, $0x1;
	s10 =	sld [smem:$0x3FB6];
	_ =	sdelay $0x3  }
0x37: {  	[smem:$0x3FB6] =	sst s10  }
0x38: {  	s10 =	sld [smem:$0x3FB7]  }
0x39: {  	_ = 	snop;
	(pc) =	sbr.ind lr, $3  }
0x3a: {  	_ = 	snop  }
0x3b: {  	_ = 	snop  }
0x3c: {  	p2 =	seq.s32 s10, $0x1;
	s10 =	sld [smem:$0x3FB6]  }
0x3d: {  	_ =	shalt  }
0x3e: {  	_ =	shalt  }
0x3f: {  	_ =	shalt  }
0x40: {  	_ =	shalt  }
0x41: {  	_ =	shalt  }
0x42: {  	_ =	shalt  }
0x43: {  	_ =	shalt  }
0x44: {  	_ =	shalt  }
0x45: {  	_ =	shalt  }
0x46: {  	_ =	shalt  }
0x47: {  	_ =	shalt  }
0x48: {  	_ =	shalt  }
0x49: {  	_ =	shalt  }
0x4a: {  	_ =	shalt  }
0x4b: {  	_ =	shalt  }
0x4c: {  	_ =	shalt  }
0x4d: {  	_ =	shalt  }
0x4e: {  	_ =	shalt  }
0x4f: {  	_ =	shalt  }
0x50: {  	_ =	shalt  }
0x51: {  	_ =	shalt  }
0x52: {  	_ =	shalt  }
0x53: {  	_ =	shalt  }
0x54: {  	_ =	shalt  }
0x55: {  	_ =	shalt  }
0x56: {  	_ =	shalt  }
0x57: {  	_ =	shalt  }
0x58: {  	_ =	shalt  }
0x59: {  	_ =	shalt  }
0x5a: {  	_ =	shalt  }
0x5b: {  	_ =	shalt  }
0x5c: {  	_ =	shalt  }
0x5d: {  	_ =	shalt  }
0x5e: {  	_ =	shalt  }
0x5f: {  	_ =	shalt  }
0x60: {  	_ =	shalt  }
0x61: {  	_ =	shalt  }
0x62: {  	_ =	shalt  }
0x63: {  	_ =	shalt  }
0x64: {  	_ =	shalt  }
0x65: {  	_ =	shalt  }
0x66: {  	_ =	shalt  }
0x67: {  	_ =	shalt  }
0x68: {  	_ =	shalt  }
0x69: {  	_ =	shalt  }
0x6a: {  	_ =	shalt  }
0x6b: {  	_ =	shalt  }
0x6c: {  	_ =	shalt  }
0x6d: {  	_ =	shalt  }
0x6e: {  	_ =	shalt  }
0x6f: {  	_ =	shalt  }
0x70: {  	_ =	shalt  }
0x71: {  	_ =	shalt  }
0x72: {  	_ =	shalt  }
0x73: {  	_ =	shalt  }
0x74: {  	_ =	shalt  }
0x75: {  	_ =	shalt  }
0x76: {  	_ =	shalt  }
0x77: {  	_ =	shalt  }
0x78: {  	_ =	shalt  }
0x79: {  	_ =	shalt  }
0x7a: {  	_ =	shalt  }
0x7b: {  	_ =	shalt  }
0x7c: {  	_ =	shalt  }
0x7d: {  	_ =	shalt  }
0x7e: {  	_ =	shalt  }
0x7f: {  	_ =	shalt  }
0x80: {  	_ =	shalt  }
0x81: {  	_ =	shalt  }
0x82: {  	_ =	shalt  }
0x83: {  	_ =	shalt  }
0x84: {  	_ =	shalt  }
0x85: {  	_ =	shalt  }
0x86: {  	_ =	shalt  }
0x87: {  	_ =	shalt  }
.Lfunc_end0:
.L_simem_size_0:
called_computation_lowered:
.L_overlay_start_0:
0x88: {  	s2 =	sld [smem:$0x3FD9]  }
0x89: {  	s3 =	sld [smem:$0x3FFE];
	_ =	sdelay $0x1  }
0x8a: {  	s1 =	srdreg.scid  }
0x8b: {  	s0 =	sand.u32 $0x1, s1  }
0x8c: {  	s17 =	sshll.u32 s0, $0xA;
	s2 =	sadd.s32 s3, s2  }
0x8d: {  	s2 =	sadd.s32 s2, s17  }
0x8e: {  	[smem:$0x3FC2] =	sst s2  }
0x8f: {  	_ = 	snop  }
0x90: {  	s2 =	sld [smem:$0x3FD0];
	(tm) =	ssettm $0x1  }
0x91: {  	s18 =	sld [smem:$0x3FFB];
	_ =	sdelay $0x3  }
0x92: {  	_ =	strace s18  }
0x93: {  	s3 =	sld [smem:$0x3FFC];
	_ =	sdelay $0x3  }
0x94: {  	_ =	strace s3  }
0x95: {  	s3 =	sld [smem:$0x3FFD];
	_ =	sdelay $0x3  }
0x96: {  	_ =	strace s3  }
0x97: {  	_ =	strace $0x8FFFFFFF  }
0x98: {  	s19 =	sld [smem:$0x3FDB];
	_ =	sdelay $0x1  }
0x99: {  	s4 =	simm.s32 $_scs_section_size  }
0x9a: {  	s5 =	simm.s32 $_size__tile_overlayer_lowered;
	s6 =	simm.s32 $_tile_overlayer_lowered  }
0x9b: {  	s22 =	simm.s32 $0x1BFF;
	s21 =	sshll.u32 s6, $0x1;
	s3 =	sadd.s32 s4, s19  }
0x9c: {  	s7 =	simm.s32 $0x0;
	s20 =	sshll.u32 s5, $0x1;
	s5 =	sadd.s32 s21, s3  }
0x9d: {  	[timem:s7], [sflag:s22] =	dma.local [hbm:s5], s20  }
0x9e: {  	_ =	swait.ge [sflag:s22], s20  }
0x9f: {  	s4 =	ssub.s32 $0x0, s20;
	[sflag:s22] =	ssyncset.done $0x0  }
0xa0: {  	[sflag:s22] =	ssyncadd.s32 s4;
	_ =	sdelay $0x1  }
0xa1: {  	s23 =	simm.s32 $0x1B8B  }
0xa2: {  	_ =	swait.ge [sflag:s23], $0x1  }
0xa3: {  	[sflag:s23] =	ssyncset.done $0x0  }
0xa4: {  	s25 =	simm.s32 $0x1B8E;
	s24 =	sld [smem:$0x3FFE];
	[sflag:s23] =	ssyncadd.s32 $0xFFFFFFFF  }
0xa5: {  	s26 =	simm.s32 $execute0_lowered;
	[smem:$0x3FD2] =	sst s25  }
0xa6: {  	s5 =	sshll.u32 s26, $0x1;
	_ =	strace $0x80000046;
	[dreg:$0x1] =	wrdreg $0xFFFFFFFF  }
0xa7: {  	s28 =	simm.s32 $_size_execute0_lowered;
	s3 =	sadd.s32 s3, s5;
	[dreg:$0x0] =	wrdreg $0x0  }
0xa8: {  	s5 =	sshll.u32 s28, $0x1;
	[dreg:$0x2] =	wrdreg s3  }
0xa9: {  	[dreg:$0x3] =	wrdreg s5  }
0xaa: {  	[dreg:$0x4] =	wrdreg $0xC0  }
0xab: {  	_ =	task [dreg:s7], $0x5FFFF  }
0xac: {  	[dreg:$0x1] =	wrdreg $0xFFFFFFFF  }
0xad: {  	[dreg:$0x0] =	wrdreg $0x60  }
0xae: {  	[dreg:$0x2] =	wrdreg s2  }
0xaf: {  	[dreg:$0x3] =	wrdreg s24  }
0xb0: {  	[dreg:$0x4] =	wrdreg $0x0  }
0xb1: {  	[dreg:$0x5] =	wrdreg $0x9  }
0xb2: {  	_ =	task.clear_ibuf [dreg:s7], $0x6FFFF;
	_ =	strace $0x90000046  }
0xb3: {  	s29 =	simm.s32 $0x9;
	_ =	strace $0x80000048  }
0xb4: {  	_ =	swait.ge [sflag:s29], $0x1  }
0xb5: {  	[sflag:s29] =	ssyncadd.s32 $0xFFFFFFFF  }
0xb6: {  	_ =	strace $0x90000048  }
0xb7: {  	_ =	sfence  }
0xb8: {  	s30 =	sld [smem:$0x0];
	_ =	sdelay $0x2  }
0xb9: {  	s31 =	sshll.u32 s1, $0xD;
	s1 =	sshrl.u32 s1, $0x2  }
0xba: {  	s3 =	sand.u32 $0x4000, s31;
	s1 =	sadd.s32 s1, s30  }
0xbb: {  	s0 =	sor.u32 s3, s0;
	s1 =	sshll.u32 s1, $0x11  }
0xbc: {  	s0 =	sor.u32 s1, s0  }
0xbd: {  	s0 =	sadd.s32 $0x8F2B, s0  }
0xbe: {  	[sflag:s0] =	ssyncadd.remote.s32 $0x1  }
0xbf: {  	_ =	sfence.sel $0xFFFF  }
0xc0: {  	[dreg:$0x0] =	wrdreg $0xFFFFFFFF;
	(pc) =	sbr.abs _section_cstart, $3  }
0xc1: {  	[dreg:$0x1] =	wrdreg $0xFFFFFFFF  }
0xc2: {  	_ =	task.clear_ibuf [dreg:s7], $0x2FFFF;
	_ =	strace $0x9FFFFFFF  }
0xc3: {  	(tm) =	ssettm $0x7FFFFFFF  }
tec
execute0_lowered:
.L_overlay_start_1:
0x0: {  	(tag) =	ssettag $0x1  }
0x1: {  	s1 =	rddreg [dreg:$0x0]  }
0x2: {  	s5 =	rddreg [dreg:$0x1]  }
0x3: {  	s2 =	rddreg [dreg:$0x2]  }
0x4: {  	s0 =	rddreg [dreg:$0x3];
	s3 =	simm.s32 $0x0  }
0x5: {  	s4 =	srdreg.scid;
	s15 =	simm.s32 $0x138C0;
	s16 =	simm.s32 $0x14CC0  }
0x6: {  	s17 =	simm.s32 $0x80;
	s18 =	simm.s32 $0x160C0;
	s19 =	simm.s32 $0x1  }
0x7: {  	s20 =	simm.s32 $0x13940;
	s21 =	simm.s32 $0x1A0C0;
	s22 =	simm.s32 $0x14D40  }
0x8: {  	s23 =	simm.s32 $0x2;
	s24 =	simm.s32 $0x3;
	s25 =	simm.s32 $0x0  }
0x9: {  	[smem:$0x7FF] =	sst s3;
	s10 =	sadd.s32 $0xB400, s5;
	s11 =	sadd.s32 $0x1400, s5  }
0xa: {  	s6 =	sand.u32 $0x1, s4;
	s4 =	stileid.u32;
	_ =	strace $0x80000047  }
0xb: {  	s7 =	smul.u32 $0x27100, s6;
	s8 =	ssub.s32 $0x2, s6;
	s12 =	ssub.s32 $0x280, s4  }
0xc: {  	s13 =	smul.u32 $0x500, s4;
	s29 =	sshll.u32 s4, $0xB;
	p0 =	seq.s32 s6, $0x0  }
0xd: {  	s31 =	sshll.u32 s4, $0x8;
	s9 =	sshrl.u32 s8, $0x1;
	s6 =	sadd.s32 s29, s2  }
0xe: {  	s14 =	sadd.s32 s7, s5;
	s28 =	ssub.s32 s8, s9;
	s9 =	sadd.s32 $0x5000, s13  }
0xf: {  	s5 =	sshrl.u32 s12, $0x4;
	s7 =	smax.u32 s28, $0x1;
	s9 =	smov.u32 @p0 s13  }
0x10: {  	s13 =	sadd.s32 s31, s14;
	s14 =	simm.s32 $0x4;
	s8 =	sadd.s32 s10, s9  }
0x11: {  	s30 =	sadd.s32 $0x280, s9;
	s9 =	sadd.s32 s11, s9;
	s12 =	sadd.s32 $0x15400, s13  }
0x12: {  	v0 =	vimm.f32 $0.0e+00;
	s13 =	simm.s32 $0x1E0C0;
	s10 =	sadd.s32 s10, s30;
	s11 =	sadd.s32 s11, s30  }
.LBB2_1:
0x13: {  	s26 =	simm.s32 $0x0;
	s28 =	simm.s32 $0x200  }
.LBB2_2:
0x14: {  	p0 =	sne.s32 s28, $0x1E00;
	[tilespmem:s26+$0x1E130] =	vst v0  }
0x15: {  	[tilespmem:s26+$0x1E0C0] =	vst v0  }
0x16: {  	[tilespmem:s26+$0x1E0D0] =	vst v0  }
.Ltmp0:
0x17: {  	[tilespmem:s26+$0x1E0E0] =	vst v0;
	(pc) =	sbr.rel @p0 .LBB2_2-.Ltmp0, $4  }
0x18: {  	[tilespmem:s26+$0x1E0F0] =	vst v0  }
0x19: {  	[tilespmem:s26+$0x1E100] =	vst v0  }
0x1a: {  	[tilespmem:s26+$0x1E110] =	vst v0  }
0x1b: {  	[tilespmem:s26+$0x1E120] =	vst v0;
	s26 =	sshra.s32 s28, $0x2;
	s28 =	sadd.s32 $0x200, s28  }
0x1c: {  	[tilespmem:s26+$0x1E130] =	vst v0  }
0x1d: {  	[tilespmem:s26+$0x1E0C0] =	vst v0  }
0x1e: {  	[tilespmem:s26+$0x1E0D0] =	vst v0  }
0x1f: {  	[tilespmem:s26+$0x1E0E0] =	vst v0  }
0x20: {  	[tilespmem:s26+$0x1E0F0] =	vst v0  }
0x21: {  	[tilespmem:s26+$0x1E100] =	vst v0;
	p0 =	sne.s32 s5, $0x1  }
.Ltmp1:
0x22: {  	[tilespmem:s26+$0x1E110] =	vst v0;
	(pc) =	sbr.rel @!p0 .LBB2_5-.Ltmp1, $4  }
0x23: {  	[tilespmem:s26+$0x1E120] =	vst v0  }
0x24: {  	[spmem:s6] =	stream.linear.scatter [tilespmem:s13], [sflag:$0x4], $0x800, $0x38;
	[tilespmem:$0x1E8C0] =	vst v63  }
0x25: {  	_ =	swait.ge [sflag:s14], $0x800  }
0x26: {  	s26 =	sadd.s32 $0xFFFFFFFF, s5;
	s28 =	smov.u32 s6;
	[sflag:s14] =	ssyncset.done $0x0  }
.LBB2_4:
0x27: {  	p1 =	sne.s32 s26, $0x1;
	[sflag:s14] =	ssyncadd.s32 $0xFFFFF800;
	s28 =	sadd.s32 $0x8000, s28  }
.Ltmp2:
0x28: {  	s26 =	sadd.s32 $0xFFFFFFFF, s26;
	(pc) =	sbr.rel @p1 .LBB2_4-.Ltmp2, $4  }
0x29: {  	_ = 	snop  }
0x2a: {  	[spmem:s28] =	stream.linear.scatter [tilespmem:s13], [sflag:$0x4], $0x800, $0x38;
	[tilespmem:$0x1E8C0] =	vst v63  }
0x2b: {  	_ =	swait.ge [sflag:s14], $0x800  }
0x2c: {  	[sflag:s14] =	ssyncset.done $0x0  }
.LBB2_5:
0x2d: {  	[sflag:s14] =	ssyncadd.s32 $0xFFFFF800  }
0x2e: {  	[bflag:$0x0] =	sbarrier.arrive $0xFFFF  }
0x2f: {  	[tilespmem:s15], [sflag:$0x4] =	stream.linear.gather [hbm4b:s8+s3], $0x1400, $0x38;
	[tilespmem:$0x1E8C0] =	vst v63  }
0x30: {  	_ =	swait.ge [sflag:s14], $0x1400  }
0x31: {  	[sflag:s14] =	ssyncset.done $0x0  }
0x32: {  	[sflag:s14] =	ssyncadd.s32 $0xFFFFEC00  }
0x33: {  	[tilespmem:s16], [sflag:$0x4] =	stream.linear.gather [hbm4b:s9+s3], $0x1400, $0x38;
	[tilespmem:$0x1E8C0] =	vst v63  }
0x34: {  	_ =	swait.ge [sflag:s14], $0x1400  }
0x35: {  	[sflag:s14] =	ssyncset.done $0x0  }
0x36: {  	[sflag:s14] =	ssyncadd.s32 $0xFFFFEC00  }
0x37: {  	[tilespmem:s18], [sflag:$0x1] =	stream.indirect.gather [hbm4b:s1+s17], $0x80, s15, s17, $0xb8;
	[tilespmem:$0x1E8C0] =	vst v63  }
0x38: {  	_ =	swait.ge [sflag:s19], $0x4000  }
0x39: {  	[sflag:s19] =	ssyncset.done $0x0  }
0x3a: {  	[sflag:s19] =	ssyncadd.s32 $0xFFFFC000  }
0x3b: {  	[spmem:s2] =	stream.indirect.scatter.add.f32 [tilespmem:s18], [sflag:$0x2], $0x80, s16, s17, $0xb8;
	[tilespmem:$0x1E8C0] =	vst v63  }
0x3c: {  	_ = 	snop  }
0x3d: {  	[tilespmem:s21], [sflag:$0x1] =	stream.indirect.gather [hbm4b:s1+s17], $0x80, s20, s17, $0xb8;
	[tilespmem:$0x1E8C0] =	vst v63  }
0x3e: {  	_ =	swait.ge [sflag:s19], $0x4000  }
0x3f: {  	[sflag:s19] =	ssyncset.done $0x0  }
0x40: {  	[sflag:s19] =	ssyncadd.s32 $0xFFFFC000  }
0x41: {  	[spmem:s2] =	stream.indirect.scatter.add.f32 [tilespmem:s21], [sflag:$0x3], $0x80, s22, s17, $0xb8;
	[tilespmem:$0x1E8C0] =	vst v63  }
0x42: {  	_ =	swait.ge [sflag:s23], $0x4000  }
0x43: {  	[sflag:s23] =	ssyncset.done $0x0  }
0x44: {  	s26 =	simm.s32 $0x139C0;
	[sflag:s23] =	ssyncadd.s32 $0xFFFFC000  }
0x45: {  	[tilespmem:s18], [sflag:$0x1] =	stream.indirect.gather [hbm4b:s1+s17], $0x80, s26, s17, $0xb8;
	[tilespmem:$0x1E8C0] =	vst v63  }
0x46: {  	_ =	swait.ge [sflag:s19], $0x4000  }
0x47: {  	[sflag:s19] =	ssyncset.done $0x0  }
0x48: {  	s30 =	simm.s32 $0x14DC0;
	[sflag:s19] =	ssyncadd.s32 $0xFFFFC000  }
0x49: {  	[spmem:s2] =	stream.indirect.scatter.add.f32 [tilespmem:s18], [sflag:$0x2], $0x80, s30, s17, $0xb8;
	[tilespmem:$0x1E8C0] =	vst v63  }
0x4a: {  	_ =	swait.ge [sflag:s24], $0x4000  }
0x4b: {  	[sflag:s24] =	ssyncset.done $0x0  }
0x4c: {  	s31 =	simm.s32 $0x13A40;
	[sflag:s24] =	ssyncadd.s32 $0xFFFFC000  }
0x4d: {  	[tilespmem:s21], [sflag:$0x1] =	stream.indirect.gather [hbm4b:s1+s17], $0x80, s31, s17, $0xb8;
	[tilespmem:$0x1E8C0] =	vst v63  }
0x4e: {  	_ =	swait.ge [sflag:s19], $0x4000  }
0x4f: {  	[sflag:s19] =	ssyncset.done $0x0  }
0x50: {  	s28 =	simm.s32 $0x14E40;
	s26 =	simm.s32 $0xFFFFB800;
	[sflag:s19] =	ssyncadd.s32 $0xFFFFC000  }
.LBB2_6:
0x51: {  	[spmem:s2] =	stream.indirect.scatter.add.f32 [tilespmem:s21], [sflag:$0x3], $0x80, s28, s17, $0xb8;
	[tilespmem:$0x1E8C0] =	vst v63  }
0x52: {  	s28 =	smov.u32 s26  }
0x53: {  	p1 =	sne.s32 s26, $0xFFFFFC00;
	s26 =	sadd.s32 $0x400, s26;
	_ =	swait.ge [sflag:s23], $0x4000  }
0x54: {  	s28 =	sshra.s32 s28, $0x2;
	[sflag:s23] =	ssyncset.done $0x0  }
0x55: {  	s29 =	sadd.s32 $0x14CC0, s28;
	[sflag:s23] =	ssyncadd.s32 $0xFFFFC000  }
0x56: {  	[tilespmem:s18], [sflag:$0x1] =	stream.indirect.gather [hbm4b:s1+s17], $0x80, s29, s17, $0xb8;
	[tilespmem:$0x1E8C0] =	vst v63  }
0x57: {  	_ =	swait.ge [sflag:s19], $0x4000  }
0x58: {  	[sflag:s19] =	ssyncset.done $0x0  }
0x59: {  	s29 =	sadd.s32 $0x160C0, s28;
	[sflag:s19] =	ssyncadd.s32 $0xFFFFC000  }
0x5a: {  	[spmem:s2] =	stream.indirect.scatter.add.f32 [tilespmem:s18], [sflag:$0x2], $0x80, s29, s17, $0xb8;
	[tilespmem:$0x1E8C0] =	vst v63  }
0x5b: {  	_ =	swait.ge [sflag:s24], $0x4000  }
0x5c: {  	[sflag:s24] =	ssyncset.done $0x0  }
.Ltmp3:
0x5d: {  	s29 =	sadd.s32 $0x14D40, s28;
	[sflag:s24] =	ssyncadd.s32 $0xFFFFC000;
	(pc) =	sbr.rel @p1 .LBB2_6-.Ltmp3, $4  }
0x5e: {  	[tilespmem:s21], [sflag:$0x1] =	stream.indirect.gather [hbm4b:s1+s17], $0x80, s29, s17, $0xb8;
	[tilespmem:$0x1E8C0] =	vst v63  }
0x5f: {  	_ =	swait.ge [sflag:s19], $0x4000  }
0x60: {  	[sflag:s19] =	ssyncset.done $0x0  }
0x61: {  	s28 =	sadd.s32 $0x16140, s28;
	[sflag:s19] =	ssyncadd.s32 $0xFFFFC000  }
0x62: {  	[spmem:s2] =	stream.indirect.scatter.add.f32 [tilespmem:s21], [sflag:$0x3], $0x80, s28, s17, $0xb8;
	[tilespmem:$0x1E8C0] =	vst v63  }
0x63: {  	_ =	swait.ge [sflag:s23], $0x4000  }
0x64: {  	[sflag:s23] =	ssyncset.done $0x0  }
0x65: {  	[sflag:s23] =	ssyncadd.s32 $0xFFFFC000  }
0x66: {  	_ =	swait.ge [sflag:s24], $0x4000  }
0x67: {  	[sflag:s24] =	ssyncset.done $0x0  }
0x68: {  	[sflag:s24] =	ssyncadd.s32 $0xFFFFC000  }
0x69: {  	[tilespmem:s15], [sflag:$0x4] =	stream.linear.gather [hbm4b:s10+s3], $0x1400, $0x38;
	[tilespmem:$0x1E8C0] =	vst v63  }
0x6a: {  	_ =	swait.ge [sflag:s14], $0x1400  }
0x6b: {  	[sflag:s14] =	ssyncset.done $0x0  }
0x6c: {  	[sflag:s14] =	ssyncadd.s32 $0xFFFFEC00  }
0x6d: {  	[tilespmem:s16], [sflag:$0x4] =	stream.linear.gather [hbm4b:s11+s3], $0x1400, $0x38;
	[tilespmem:$0x1E8C0] =	vst v63  }
0x6e: {  	_ =	swait.ge [sflag:s14], $0x1400  }
0x6f: {  	[sflag:s14] =	ssyncset.done $0x0  }
0x70: {  	[sflag:s14] =	ssyncadd.s32 $0xFFFFEC00  }
0x71: {  	[tilespmem:s18], [sflag:$0x1] =	stream.indirect.gather [hbm4b:s1+s17], $0x80, s15, s17, $0xb8;
	[tilespmem:$0x1E8C0] =	vst v63  }
0x72: {  	_ =	swait.ge [sflag:s19], $0x4000  }
0x73: {  	[sflag:s19] =	ssyncset.done $0x0  }
0x74: {  	[sflag:s19] =	ssyncadd.s32 $0xFFFFC000  }
0x75: {  	[spmem:s2] =	stream.indirect.scatter.add.f32 [tilespmem:s18], [sflag:$0x2], $0x80, s16, s17, $0xb8;
	[tilespmem:$0x1E8C0] =	vst v63  }
0x76: {  	_ = 	snop  }
0x77: {  	[tilespmem:s21], [sflag:$0x1] =	stream.indirect.gather [hbm4b:s1+s17], $0x80, s20, s17, $0xb8;
	[tilespmem:$0x1E8C0] =	vst v63  }
0x78: {  	_ =	swait.ge [sflag:s19], $0x4000  }
0x79: {  	[sflag:s19] =	ssyncset.done $0x0  }
0x7a: {  	[sflag:s19] =	ssyncadd.s32 $0xFFFFC000  }
0x7b: {  	[spmem:s2] =	stream.indirect.scatter.add.f32 [tilespmem:s21], [sflag:$0x3], $0x80, s22, s17, $0xb8;
	[tilespmem:$0x1E8C0] =	vst v63  }
0x7c: {  	_ =	swait.ge [sflag:s23], $0x4000  }
0x7d: {  	[sflag:s23] =	ssyncset.done $0x0  }
0x7e: {  	s26 =	simm.s32 $0x139C0;
	[sflag:s23] =	ssyncadd.s32 $0xFFFFC000  }
0x7f: {  	[tilespmem:s18], [sflag:$0x1] =	stream.indirect.gather [hbm4b:s1+s17], $0x80, s26, s17, $0xb8;
	[tilespmem:$0x1E8C0] =	vst v63  }
0x80: {  	_ =	swait.ge [sflag:s19], $0x4000  }
0x81: {  	[sflag:s19] =	ssyncset.done $0x0  }
0x82: {  	s30 =	simm.s32 $0x14DC0;
	[sflag:s19] =	ssyncadd.s32 $0xFFFFC000  }
0x83: {  	[spmem:s2] =	stream.indirect.scatter.add.f32 [tilespmem:s18], [sflag:$0x2], $0x80, s30, s17, $0xb8;
	[tilespmem:$0x1E8C0] =	vst v63  }
0x84: {  	_ =	swait.ge [sflag:s24], $0x4000  }
0x85: {  	[sflag:s24] =	ssyncset.done $0x0  }
0x86: {  	s31 =	simm.s32 $0x13A40;
	[sflag:s24] =	ssyncadd.s32 $0xFFFFC000  }
0x87: {  	[tilespmem:s21], [sflag:$0x1] =	stream.indirect.gather [hbm4b:s1+s17], $0x80, s31, s17, $0xb8;
	[tilespmem:$0x1E8C0] =	vst v63  }
0x88: {  	_ =	swait.ge [sflag:s19], $0x4000  }
0x89: {  	[sflag:s19] =	ssyncset.done $0x0  }
0x8a: {  	s28 =	simm.s32 $0x14E40;
	s26 =	simm.s32 $0xFFFFB800;
	[sflag:s19] =	ssyncadd.s32 $0xFFFFC000  }
.LBB2_8:
0x8b: {  	[spmem:s2] =	stream.indirect.scatter.add.f32 [tilespmem:s21], [sflag:$0x3], $0x80, s28, s17, $0xb8;
	[tilespmem:$0x1E8C0] =	vst v63  }
0x8c: {  	s28 =	smov.u32 s26  }
0x8d: {  	p1 =	sne.s32 s26, $0xFFFFFC00;
	s26 =	sadd.s32 $0x400, s26;
	_ =	swait.ge [sflag:s23], $0x4000  }
0x8e: {  	s28 =	sshra.s32 s28, $0x2;
	[sflag:s23] =	ssyncset.done $0x0  }
0x8f: {  	s29 =	sadd.s32 $0x14CC0, s28;
	[sflag:s23] =	ssyncadd.s32 $0xFFFFC000  }
0x90: {  	[tilespmem:s18], [sflag:$0x1] =	stream.indirect.gather [hbm4b:s1+s17], $0x80, s29, s17, $0xb8;
	[tilespmem:$0x1E8C0] =	vst v63  }
0x91: {  	_ =	swait.ge [sflag:s19], $0x4000  }
0x92: {  	[sflag:s19] =	ssyncset.done $0x0  }
0x93: {  	s29 =	sadd.s32 $0x160C0, s28;
	[sflag:s19] =	ssyncadd.s32 $0xFFFFC000  }
0x94: {  	[spmem:s2] =	stream.indirect.scatter.add.f32 [tilespmem:s18], [sflag:$0x2], $0x80, s29, s17, $0xb8;
	[tilespmem:$0x1E8C0] =	vst v63  }
0x95: {  	_ =	swait.ge [sflag:s24], $0x4000  }
0x96: {  	[sflag:s24] =	ssyncset.done $0x0  }
.Ltmp4:
0x97: {  	s29 =	sadd.s32 $0x14D40, s28;
	[sflag:s24] =	ssyncadd.s32 $0xFFFFC000;
	(pc) =	sbr.rel @p1 .LBB2_8-.Ltmp4, $4  }
0x98: {  	[tilespmem:s21], [sflag:$0x1] =	stream.indirect.gather [hbm4b:s1+s17], $0x80, s29, s17, $0xb8;
	[tilespmem:$0x1E8C0] =	vst v63  }
0x99: {  	_ =	swait.ge [sflag:s19], $0x4000  }
0x9a: {  	[sflag:s19] =	ssyncset.done $0x0  }
0x9b: {  	s28 =	sadd.s32 $0x16140, s28;
	[sflag:s19] =	ssyncadd.s32 $0xFFFFC000  }
0x9c: {  	[spmem:s2] =	stream.indirect.scatter.add.f32 [tilespmem:s21], [sflag:$0x3], $0x80, s28, s17, $0xb8;
	[tilespmem:$0x1E8C0] =	vst v63  }
0x9d: {  	_ =	swait.ge [sflag:s23], $0x4000  }
0x9e: {  	[sflag:s23] =	ssyncset.done $0x0  }
0x9f: {  	[sflag:s23] =	ssyncadd.s32 $0xFFFFC000  }
0xa0: {  	_ =	swait.ge [sflag:s24], $0x4000  }
.Ltmp5:
0xa1: {  	[sflag:s24] =	ssyncset.done $0x0;
	(pc) =	sbr.rel @!p0 .LBB2_11-.Ltmp5, $4  }
0xa2: {  	s26 =	sshll.u32 s4, $0x6;
	s28 =	sshrl.u32 s6, $0x3;
	[sflag:s24] =	ssyncadd.s32 $0xFFFFC000  }
0xa3: {  	s29 =	sadd.s32 $0x1000, s12;
	s26 =	sor.u32 $0x1C04, s26;
	[bflag:$0x0] =	sbarrier.arrive $0xFFFF  }
0xa4: {  	[hbm:s12], [sflag:s26] =	dma.local [spmem:s28], $0x100  }
0xa5: {  	s30 =	smov.u32 s6;
	s28 =	sadd.s32 $0xFFFFFFFF, s5;
	_ =	swait.ge [sflag:s14], $0x100  }
.LBB2_10:
0xa6: {  	[sflag:s14] =	ssyncset.done $0x0;
	s30 =	sadd.s32 $0x8000, s30;
	p0 =	sne.s32 s28, $0x1  }
.Ltmp6:
0xa7: {  	s31 =	sshrl.u32 s30, $0x3;
	[sflag:s14] =	ssyncadd.s32 $0xFFFFFF00;
	(pc) =	sbr.rel @p0 .LBB2_10-.Ltmp6, $3  }
0xa8: {  	[hbm:s29], [sflag:s26] =	dma.local [spmem:s31], $0x100  }
0xa9: {  	s28 =	sadd.s32 $0xFFFFFFFF, s28;
	_ =	sdelay $0x1  }
0xaa: {  	s29 =	sadd.s32 $0x1000, s29;
	_ =	swait.ge [sflag:s14], $0x100  }
.LBB2_11:
0xab: {  	s25 =	sadd.s32 $0x1, s25  }
0xac: {  	p0 =	sne.s32 s25, s7  }
.Ltmp7:
0xad: {  	_ = 	snop;
	(pc) =	sbr.rel @p0 .LBB2_1-.Ltmp7, $3  }
0xae: {  	_ =	sdelay $0x1  }
0xaf: {  	[sflag:s14] =	ssyncset.done $0x0  }
0xb0: {  	[sflag:s14] =	ssyncadd.s32 $0xFFFFFF00  }
0xb1: {  	_ =	sfence.sel $0x180000  }
0xb2: {  	[bflag:$0x0] =	sbarrier.arrive $0xFFFF  }
0xb3: {  	p0 =	sne.s32 s4, $0x0;
	_ =	strace $0x90000047  }
0xb4: {  	s0 =	sadd.s32 @!p0 $0x100000, s0;
	[bflag:$0x2] =	sbarrier.arrive $0xFFFF  }
0xb5: {  	[sflag:s0] =	ssyncadd.tile.s32 @!p0 $0x1;
	_ =	shalt  }
.Lfunc_end2:
_tile_overlayer_lowered:
.L_overlay_start_2:
0xb6: {  	(tag) =	ssettag $0x2  }
0xb7: {  	s0 =	rddreg [dreg:$0x0];
	s2 =	stileid.u32  }
0xb8: {  	s1 =	rddreg [dreg:$0x1];
	p0 =	sne.s32 s2, $0x0  }
0xb9: {  	s3 =	rddreg [dreg:$0x2];
	[bflag:$0x3] =	sbarrier.arrive $0xFFFF;
	s2 =	simm.s32 @!p0 $0x1C04  }
0xba: {  	[timem:s3], [sflag:s2] =	dma.local @!p0 [hbm:s0], s1  }
0xbb: {  	s0 =	simm.s32 @!p0 $0x4  }
0xbc: {  	_ =	swait.ge @!p0 [sflag:s0], s1  }
0xbd: {  	s1 =	ssub.s32 @!p0 $0x0, s1;
	[sflag:s0] =	ssyncset.done @!p0 $0x0  }
0xbe: {  	[sflag:s0] =	ssyncadd.s32 @!p0 s1  }
0xbf: {  	[bflag:$0x3] =	sbarrier.arrive $0xFFFF  }
0xc0: {  	_ =	shalt  }

</sc_bundles>
